<compile_context>
chip_gen: v7x
topology: tpu7x:2x2x1
jax: 0.10.2.dev20260603
libtpu: 0.0.44.dev20260713+nightly
codegen_flags: <defaults>
</compile_context>

<pallas_src>
import functools

import jax
import jax.numpy as jnp
from jax import lax
from jax.experimental import pallas as pl
from jax.experimental.pallas import tpu as pltpu
from jax.experimental.pallas import tpu_sc as plsc

_EMB = 16
_BATCH = 16384
_REGS = 1e-5
_NC = 2
_NS = 16
_NW = _NC * _NS
_BPW = _BATCH // _NW
_GROUPS = _BPW // 16
_ELEMS = _BPW * _EMB
_Q = 1

_TILES = 2_000_000 // 128
_FBLOCK = _TILES * 1024


def _sc_partials(tab_flat, u_idx, p_idx, n_idx):
    mesh = plsc.VectorSubcoreMesh(core_axis_name="c", subcore_axis_name="s")

    @functools.partial(
        pl.kernel,
        mesh=mesh,
        compiler_params=pltpu.CompilerParams(
            needs_layout_passes=False, use_tc_tiling_on_sc=False),
        out_type=jax.ShapeDtypeStruct((_NW, 16), jnp.float32),
        scratch_types=[
            pltpu.VMEM((_BPW,), jnp.int32),
            pltpu.VMEM((_BPW,), jnp.int32),
            pltpu.VMEM((_BPW,), jnp.int32),
            pltpu.VMEM((_ELEMS,), jnp.int32),
            pltpu.VMEM((_ELEMS,), jnp.int32),
            pltpu.VMEM((_ELEMS,), jnp.int32),
            pltpu.VMEM((_ELEMS,), jnp.float32),
            pltpu.VMEM((_ELEMS,), jnp.float32),
            pltpu.VMEM((_ELEMS,), jnp.float32),
            pltpu.VMEM((16,), jnp.float32),
            pltpu.SemaphoreType.DMA,
            pltpu.SemaphoreType.DMA,
            pltpu.SemaphoreType.DMA,
            pltpu.SemaphoreType.DMA,
        ],
    )
    def body(tab, uix, pix, nix, out, ui, pi, ni, uf, pf, nf,
             ue, pe, ne, obuf, sem0, sem1, sem2, sem3):
        wid = lax.axis_index("s") * _NC + lax.axis_index("c")
        sems = (sem0, sem1, sem2, sem3)
        pltpu.sync_copy(uix.at[wid], ui)
        pltpu.sync_copy(pix.at[wid], pi)
        pltpu.sync_copy(nix.at[wid], ni)

        gpq = _GROUPS // _Q
        epq = _ELEMS // _Q

        def build(g, _):
            for sidx, fidx in ((ui, uf), (pi, pf), (ni, nf)):
                rv = sidx[pl.ds(g * 16, 16)]
                base = ((rv >> 7) << 10) + (rv & 127)
                for j in range(_EMB):
                    off = (j & 7) * 128 + (j >> 3) * _FBLOCK
                    fidx[pl.ds(g * 256 + j * 16, 16)] = base + off
            return 0

        for q in range(_Q):
            lax.fori_loop(q * gpq, (q + 1) * gpq, build, 0)
            sl = pl.ds(q * epq, epq)
            pltpu.async_copy(tab.at[uf.at[sl]], ue.at[sl], sems[q])
            pltpu.async_copy(tab.at[pf.at[sl]], pe.at[sl], sems[q])
            pltpu.async_copy(tab.at[nf.at[sl]], ne.at[sl], sems[q])

        lanes = lax.iota(jnp.int32, 16)
        zeros = jnp.zeros((16,), jnp.float32)

        def group(g, carry):
            bpr_acc, sq_acc = carry
            dacc = zeros
            for j in range(_EMB):
                sl = pl.ds(g * 256 + j * 16, 16)
                u = ue[sl]
                p = pe[sl]
                n = ne[sl]
                dacc = dacc + u * (p - n)
                sq_acc = sq_acc + (u * u + (p * p + n * n))
            a = -dacc
            t = jnp.exp(-jnp.abs(a))
            y = 1.0 + t
            z = 0.7 * t
            for _ in range(3):
                z = z - 1.0 + y * jnp.exp(-z)
            bpr_acc = bpr_acc + (jnp.maximum(a, 0.0) + z)
            return bpr_acc, sq_acc

        acc = (zeros, zeros)
        for q in range(_Q):
            sl = pl.ds(q * epq, epq)
            pltpu.make_async_copy(tab.at[uf.at[sl]], ue.at[sl], sems[q]).wait()
            pltpu.make_async_copy(tab.at[pf.at[sl]], pe.at[sl], sems[q]).wait()
            pltpu.make_async_copy(tab.at[nf.at[sl]], ne.at[sl], sems[q]).wait()
            acc = lax.fori_loop(q * gpq, (q + 1) * gpq, group, acc)
        bpr_acc, sq_acc = acc
        bpr_tot = jnp.sum(bpr_acc)
        sq_tot = jnp.sum(sq_acc)
        vals = jnp.where(lanes == 0, bpr_tot,
                         jnp.where(lanes == 1, sq_tot, 0.0))
        obuf[...] = vals
        pltpu.sync_copy(obuf, out.at[wid])

    return body(tab_flat, u_idx, p_idx, n_idx)


def kernel(all_embed, user, pos_item, neg_item):
    tab_flat = (
        all_embed.T.reshape(2, 8, _TILES, 128)
        .transpose(0, 2, 1, 3)
        .reshape(2 * _FBLOCK)
    )
    u2 = user.astype(jnp.int32).reshape(_NW, _BPW)
    p2 = pos_item.astype(jnp.int32).reshape(_NW, _BPW)
    n2 = neg_item.astype(jnp.int32).reshape(_NW, _BPW)
    partials = _sc_partials(tab_flat, u2, p2, n2)
    bpr_loss = jnp.sum(partials[:, 0]) / _BATCH
    reg_loss = _REGS * 0.5 * jnp.sum(partials[:, 1])
    return (bpr_loss, reg_loss)

# --- scband reference (transcript-rebuilt; emitter-appended) ---
"""Pipeline reference for scband-mf-16398185136713 (READ-ONLY COPY).

The authoritative reference and input builder live on the scoring server;
editing this copy changes nothing except your own understanding.
"""

import jax, jax.numpy as jnp
import numpy as np
import math

N_USERS = 1000000
N_ITEMS = 1000000
EMB_SIZE = 16
REGS = 1e-5
BATCH = 16384


def setup_inputs(seed: int = 0) -> dict:
    key = jax.random.key(seed)
    k_tab, k_u, k_p, k_n = jax.random.split(key, 4)
    n_rows = N_USERS + N_ITEMS
    # xavier_uniform_ init: limit = sqrt(6 / (fan_in + fan_out))
    limit = math.sqrt(6.0 / (n_rows + EMB_SIZE))
    all_embed = jax.random.uniform(k_tab, (n_rows, EMB_SIZE), dtype=jnp.float32, minval=-limit, maxval=limit)
    user = jax.random.randint(k_u, (BATCH,), 0, N_USERS, dtype=jnp.int64 if jax.config.jax_enable_x64 else jnp.int32)
    pos_item = jax.random.randint(k_p, (BATCH,), 0, N_USERS + N_ITEMS, dtype=jnp.int64 if jax.config.jax_enable_x64 else jnp.int32)
    neg_item = jax.random.randint(k_n, (BATCH,), 0, N_USERS + N_ITEMS, dtype=jnp.int64 if jax.config.jax_enable_x64 else jnp.int32)
    return {"all_embed": all_embed, "user": user, "pos_item": pos_item, "neg_item": neg_item}


def _l2_loss(t):
    return jnp.sum(t ** 2) / 2.0


def reference(all_embed, user, pos_item, neg_item):
    u_e = jnp.take(all_embed, user, axis=0)
    pos_e = jnp.take(all_embed, pos_item, axis=0)
    neg_e = jnp.take(all_embed, neg_item, axis=0)
    reg_loss = _l2_loss(u_e) + _l2_loss(pos_e) + _l2_loss(neg_e)
    reg_loss = REGS * reg_loss
    pos_scores = jnp.sum(u_e * pos_e, axis=1)
    neg_scores = jnp.sum(u_e * neg_e, axis=1)
    bpr_loss = jnp.log(jax.nn.sigmoid(pos_scores - neg_scores))
    bpr_loss = -jnp.mean(bpr_loss)
    return (bpr_loss, reg_loss)

if __name__ == "__main__":
    import jax
    _d = setup_inputs()
    print(jax.jit(kernel)(*tuple(_d.values())))

</pallas_src>

<mosaic_0001>
#map = affine_map<(d0, d1) -> (0)>
#map1 = affine_map<(d0, d1) -> (0, 0)>
module attributes {stable_mosaic.version = 14 : i64} {
  func.func @body(%arg0: i32, %arg1: i32, %arg2: memref<32000000xf32, #tpu.memory_space<hbm>>, %arg3: memref<32x512xi32, #tpu.memory_space<hbm>>, %arg4: memref<32x512xi32, #tpu.memory_space<hbm>>, %arg5: memref<32x512xi32, #tpu.memory_space<hbm>>, %arg6: memref<32x16xf32, #tpu.memory_space<hbm>>, %arg7: memref<512xi32, #tpu.memory_space<vmem>>, %arg8: memref<512xi32, #tpu.memory_space<vmem>>, %arg9: memref<512xi32, #tpu.memory_space<vmem>>, %arg10: memref<8192xi32, #tpu.memory_space<vmem>>, %arg11: memref<8192xi32, #tpu.memory_space<vmem>>, %arg12: memref<8192xi32, #tpu.memory_space<vmem>>, %arg13: memref<8192xf32, #tpu.memory_space<vmem>>, %arg14: memref<8192xf32, #tpu.memory_space<vmem>>, %arg15: memref<8192xf32, #tpu.memory_space<vmem>>, %arg16: memref<16xf32, #tpu.memory_space<vmem>>, %arg17: memref<!tpu.dma_semaphore, #tpu.memory_space<semaphore_mem>>, %arg18: memref<!tpu.dma_semaphore, #tpu.memory_space<semaphore_mem>>, %arg19: memref<!tpu.dma_semaphore, #tpu.memory_space<semaphore_mem>>, %arg20: memref<!tpu.dma_semaphore, #tpu.memory_space<semaphore_mem>>) attributes {dimension_semantics = [#tpu.dimension_semantics<core_parallel>, #tpu.dimension_semantics<subcore_parallel>], iteration_bounds = array<i64: 2, 16>, scalar_prefetch = 0 : i64, scratch_operands = 14 : i64, tpu.core_type = #tpu.core_type<sc_vector_subcore>, window_params = [{transform_indices = #map}, {transform_indices = #map1}, {transform_indices = #map1}, {transform_indices = #map1}, {transform_indices = #map1}]} {
    %mul3A = arith.constant 2 : i32
    %mul3A_0 = arith.muli %arg1, %mul3A : i32
    %add3A = arith.addi %mul3A_0, %arg0 : i32
    "tpu.region"() ({
      %run_scoped3A = tpu.sem_alloc : memref<!tpu.dma_semaphore, #tpu.memory_space<semaphore_mem>>
      %dma_start3A_65 = arith.constant 0 : i32
      %dma_start3A_66 = tpu.memref_slice %arg3[%add3A, %dma_start3A_65] : memref<32x512xi32, #tpu.memory_space<hbm>> -> memref<1x512xi32, #tpu.memory_space<hbm>>
      %dma_start3A_67 = tpu.memref_squeeze %dma_start3A_66 : memref<1x512xi32, #tpu.memory_space<hbm>> -> memref<512xi32, #tpu.memory_space<hbm>>
      %dma_start3A_68 = arith.constant 0 : i32
      %dma_start3A_69 = tpu.memref_slice %arg3[%add3A, %dma_start3A_68] : memref<32x512xi32, #tpu.memory_space<hbm>> -> memref<1x512xi32, #tpu.memory_space<hbm>>
      %dma_start3A_70 = tpu.memref_squeeze %dma_start3A_69 : memref<1x512xi32, #tpu.memory_space<hbm>> -> memref<512xi32, #tpu.memory_space<hbm>>
      tpu.enqueue_dma source(%dma_start3A_70 : memref<512xi32, #tpu.memory_space<hbm>>) target(%arg7 : memref<512xi32, #tpu.memory_space<vmem>>) target_semaphore(%run_scoped3A : memref<!tpu.dma_semaphore, #tpu.memory_space<semaphore_mem>>)
      %dma_wait3A_71 = arith.constant 0 : i32
      %dma_wait3A_72 = tpu.memref_slice %arg3[%add3A, %dma_wait3A_71] : memref<32x512xi32, #tpu.memory_space<hbm>> -> memref<1x512xi32, #tpu.memory_space<hbm>>
      %dma_wait3A_73 = tpu.memref_squeeze %dma_wait3A_72 : memref<1x512xi32, #tpu.memory_space<hbm>> -> memref<512xi32, #tpu.memory_space<hbm>>
      %dma_wait3A_74 = arith.constant 0 : i32
      %dma_wait3A_75 = tpu.memref_slice %arg3[%add3A, %dma_wait3A_74] : memref<32x512xi32, #tpu.memory_space<hbm>> -> memref<1x512xi32, #tpu.memory_space<hbm>>
      %dma_wait3A_76 = tpu.memref_squeeze %dma_wait3A_75 : memref<1x512xi32, #tpu.memory_space<hbm>> -> memref<512xi32, #tpu.memory_space<hbm>>
      tpu.wait_dma2 semaphore(%run_scoped3A : memref<!tpu.dma_semaphore, #tpu.memory_space<semaphore_mem>>) src(%dma_wait3A_76 : memref<512xi32, #tpu.memory_space<hbm>>) dst(%arg7 : memref<512xi32, #tpu.memory_space<vmem>>)
      tpu.yield
    }) : () -> ()
    "tpu.region"() ({
      %run_scoped3A = tpu.sem_alloc : memref<!tpu.dma_semaphore, #tpu.memory_space<semaphore_mem>>
      %dma_start3A_65 = arith.constant 0 : i32
      %dma_start3A_66 = tpu.memref_slice %arg4[%add3A, %dma_start3A_65] : memref<32x512xi32, #tpu.memory_space<hbm>> -> memref<1x512xi32, #tpu.memory_space<hbm>>
      %dma_start3A_67 = tpu.memref_squeeze %dma_start3A_66 : memref<1x512xi32, #tpu.memory_space<hbm>> -> memref<512xi32, #tpu.memory_space<hbm>>
      %dma_start3A_68 = arith.constant 0 : i32
      %dma_start3A_69 = tpu.memref_slice %arg4[%add3A, %dma_start3A_68] : memref<32x512xi32, #tpu.memory_space<hbm>> -> memref<1x512xi32, #tpu.memory_space<hbm>>
      %dma_start3A_70 = tpu.memref_squeeze %dma_start3A_69 : memref<1x512xi32, #tpu.memory_space<hbm>> -> memref<512xi32, #tpu.memory_space<hbm>>
      tpu.enqueue_dma source(%dma_start3A_70 : memref<512xi32, #tpu.memory_space<hbm>>) target(%arg8 : memref<512xi32, #tpu.memory_space<vmem>>) target_semaphore(%run_scoped3A : memref<!tpu.dma_semaphore, #tpu.memory_space<semaphore_mem>>)
      %dma_wait3A_71 = arith.constant 0 : i32
      %dma_wait3A_72 = tpu.memref_slice %arg4[%add3A, %dma_wait3A_71] : memref<32x512xi32, #tpu.memory_space<hbm>> -> memref<1x512xi32, #tpu.memory_space<hbm>>
      %dma_wait3A_73 = tpu.memref_squeeze %dma_wait3A_72 : memref<1x512xi32, #tpu.memory_space<hbm>> -> memref<512xi32, #tpu.memory_space<hbm>>
      %dma_wait3A_74 = arith.constant 0 : i32
      %dma_wait3A_75 = tpu.memref_slice %arg4[%add3A, %dma_wait3A_74] : memref<32x512xi32, #tpu.memory_space<hbm>> -> memref<1x512xi32, #tpu.memory_space<hbm>>
      %dma_wait3A_76 = tpu.memref_squeeze %dma_wait3A_75 : memref<1x512xi32, #tpu.memory_space<hbm>> -> memref<512xi32, #tpu.memory_space<hbm>>
      tpu.wait_dma2 semaphore(%run_scoped3A : memref<!tpu.dma_semaphore, #tpu.memory_space<semaphore_mem>>) src(%dma_wait3A_76 : memref<512xi32, #tpu.memory_space<hbm>>) dst(%arg8 : memref<512xi32, #tpu.memory_space<vmem>>)
      tpu.yield
    }) : () -> ()
    "tpu.region"() ({
      %run_scoped3A = tpu.sem_alloc : memref<!tpu.dma_semaphore, #tpu.memory_space<semaphore_mem>>
      %dma_start3A_65 = arith.constant 0 : i32
      %dma_start3A_66 = tpu.memref_slice %arg5[%add3A, %dma_start3A_65] : memref<32x512xi32, #tpu.memory_space<hbm>> -> memref<1x512xi32, #tpu.memory_space<hbm>>
      %dma_start3A_67 = tpu.memref_squeeze %dma_start3A_66 : memref<1x512xi32, #tpu.memory_space<hbm>> -> memref<512xi32, #tpu.memory_space<hbm>>
      %dma_start3A_68 = arith.constant 0 : i32
      %dma_start3A_69 = tpu.memref_slice %arg5[%add3A, %dma_start3A_68] : memref<32x512xi32, #tpu.memory_space<hbm>> -> memref<1x512xi32, #tpu.memory_space<hbm>>
      %dma_start3A_70 = tpu.memref_squeeze %dma_start3A_69 : memref<1x512xi32, #tpu.memory_space<hbm>> -> memref<512xi32, #tpu.memory_space<hbm>>
      tpu.enqueue_dma source(%dma_start3A_70 : memref<512xi32, #tpu.memory_space<hbm>>) target(%arg9 : memref<512xi32, #tpu.memory_space<vmem>>) target_semaphore(%run_scoped3A : memref<!tpu.dma_semaphore, #tpu.memory_space<semaphore_mem>>)
      %dma_wait3A_71 = arith.constant 0 : i32
      %dma_wait3A_72 = tpu.memref_slice %arg5[%add3A, %dma_wait3A_71] : memref<32x512xi32, #tpu.memory_space<hbm>> -> memref<1x512xi32, #tpu.memory_space<hbm>>
      %dma_wait3A_73 = tpu.memref_squeeze %dma_wait3A_72 : memref<1x512xi32, #tpu.memory_space<hbm>> -> memref<512xi32, #tpu.memory_space<hbm>>
      %dma_wait3A_74 = arith.constant 0 : i32
      %dma_wait3A_75 = tpu.memref_slice %arg5[%add3A, %dma_wait3A_74] : memref<32x512xi32, #tpu.memory_space<hbm>> -> memref<1x512xi32, #tpu.memory_space<hbm>>
      %dma_wait3A_76 = tpu.memref_squeeze %dma_wait3A_75 : memref<1x512xi32, #tpu.memory_space<hbm>> -> memref<512xi32, #tpu.memory_space<hbm>>
      tpu.wait_dma2 semaphore(%run_scoped3A : memref<!tpu.dma_semaphore, #tpu.memory_space<semaphore_mem>>) src(%dma_wait3A_76 : memref<512xi32, #tpu.memory_space<hbm>>) dst(%arg9 : memref<512xi32, #tpu.memory_space<vmem>>)
      tpu.yield
    }) : () -> ()
    %scan3A = arith.constant 0 : i32
    %scan3A_1 = arith.constant 0 : i32
    %scan3A_2 = arith.constant 32 : i32
    %scan3A_3 = arith.addi %scan3A_1, %scan3A_2 : i32
    %scan3A_4 = arith.constant 1 : i32
    %scan3A_5 = scf.for %scan3A_65 = %scan3A_1 to %scan3A_3 step %scan3A_4 iter_args(%scan3A_66 = %scan3A) -> (i32)  : i32 {
      %mul3A_67 = arith.constant 16 : i32
      %mul3A_68 = arith.muli %scan3A_65, %mul3A_67 : i32
      %get3A = arith.index_cast %mul3A_68 : i32 to index
      %get3A_69 = tpu.vector_load %arg7[%get3A] {strides = array<i32>} : memref<512xi32, #tpu.memory_space<vmem>>, vector<16xi32>,
      %shift_right_arithmetic3A = arith.constant 7 : i32
      %shift_right_arithmetic3A_70 = vector.broadcast %shift_right_arithmetic3A : i32 to vector<16xi32>
      %shift_right_arithmetic3A_71 = arith.shrsi %get3A_69, %shift_right_arithmetic3A_70 : vector<16xi32>
      %shift_left3A = arith.constant 10 : i32
      %shift_left3A_72 = vector.broadcast %shift_left3A : i32 to vector<16xi32>
      %shift_left3A_73 = arith.shli %shift_right_arithmetic3A_71, %shift_left3A_72 : vector<16xi32>
      %and3A = arith.constant 127 : i32
      %and3A_74 = vector.broadcast %and3A : i32 to vector<16xi32>
      %and3A_75 = arith.andi %get3A_69, %and3A_74 : vector<16xi32>
      %add3A_76 = arith.addi %shift_left3A_73, %and3A_75 : vector<16xi32>
      %add3A_77 = arith.constant 0 : i32
      %add3A_78 = vector.broadcast %add3A_77 : i32 to vector<16xi32>
      %add3A_79 = arith.addi %add3A_76, %add3A_78 : vector<16xi32>
      %mul3A_80 = arith.constant 256 : i32
      %mul3A_81 = arith.muli %scan3A_65, %mul3A_80 : i32
      %add3A_82 = arith.constant 0 : i32
      %add3A_83 = arith.addi %mul3A_81, %add3A_82 : i32
      %swap3A_84 = arith.index_cast %add3A_83 : i32 to index
      %swap3A_85 = tpu.vector_load %arg10[%swap3A_84] {strides = array<i32>} : memref<8192xi32, #tpu.memory_space<vmem>>, vector<16xi32>,
      tpu.vector_store %arg10[%swap3A_84], %add3A_79 {strides = array<i32>} : memref<8192xi32, #tpu.memory_space<vmem>>, vector<16xi32>,
      %add3A_86 = arith.constant 128 : i32
      %add3A_87 = vector.broadcast %add3A_86 : i32 to vector<16xi32>
      %add3A_88 = arith.addi %add3A_76, %add3A_87 : vector<16xi32>
      %mul3A_89 = arith.constant 256 : i32
      %mul3A_90 = arith.muli %scan3A_65, %mul3A_89 : i32
      %add3A_91 = arith.constant 16 : i32
      %add3A_92 = arith.addi %mul3A_90, %add3A_91 : i32
      %swap3A_93 = arith.index_cast %add3A_92 : i32 to index
      %swap3A_94 = tpu.vector_load %arg10[%swap3A_93] {strides = array<i32>} : memref<8192xi32, #tpu.memory_space<vmem>>, vector<16xi32>,
      tpu.vector_store %arg10[%swap3A_93], %add3A_88 {strides = array<i32>} : memref<8192xi32, #tpu.memory_space<vmem>>, vector<16xi32>,
      %add3A_95 = arith.constant 256 : i32
      %add3A_96 = vector.broadcast %add3A_95 : i32 to vector<16xi32>
      %add3A_97 = arith.addi %add3A_76, %add3A_96 : vector<16xi32>
      %mul3A_98 = arith.constant 256 : i32
      %mul3A_99 = arith.muli %scan3A_65, %mul3A_98 : i32
      %add3A_100 = arith.constant 32 : i32
      %add3A_101 = arith.addi %mul3A_99, %add3A_100 : i32
      %swap3A_102 = arith.index_cast %add3A_101 : i32 to index
      %swap3A_103 = tpu.vector_load %arg10[%swap3A_102] {strides = array<i32>} : memref<8192xi32, #tpu.memory_space<vmem>>, vector<16xi32>,
      tpu.vector_store %arg10[%swap3A_102], %add3A_97 {strides = array<i32>} : memref<8192xi32, #tpu.memory_space<vmem>>, vector<16xi32>,
      %add3A_104 = arith.constant 384 : i32
      %add3A_105 = vector.broadcast %add3A_104 : i32 to vector<16xi32>
      %add3A_106 = arith.addi %add3A_76, %add3A_105 : vector<16xi32>
      %mul3A_107 = arith.constant 256 : i32
      %mul3A_108 = arith.muli %scan3A_65, %mul3A_107 : i32
      %add3A_109 = arith.constant 48 : i32
      %add3A_110 = arith.addi %mul3A_108, %add3A_109 : i32
      %swap3A_111 = arith.index_cast %add3A_110 : i32 to index
      %swap3A_112 = tpu.vector_load %arg10[%swap3A_111] {strides = array<i32>} : memref<8192xi32, #tpu.memory_space<vmem>>, vector<16xi32>,
      tpu.vector_store %arg10[%swap3A_111], %add3A_106 {strides = array<i32>} : memref<8192xi32, #tpu.memory_space<vmem>>, vector<16xi32>,
      %add3A_113 = arith.constant 512 : i32
      %add3A_114 = vector.broadcast %add3A_113 : i32 to vector<16xi32>
      %add3A_115 = arith.addi %add3A_76, %add3A_114 : vector<16xi32>
      %mul3A_116 = arith.constant 256 : i32
      %mul3A_117 = arith.muli %scan3A_65, %mul3A_116 : i32
      %add3A_118 = arith.constant 64 : i32
      %add3A_119 = arith.addi %mul3A_117, %add3A_118 : i32
      %swap3A_120 = arith.index_cast %add3A_119 : i32 to index
      %swap3A_121 = tpu.vector_load %arg10[%swap3A_120] {strides = array<i32>} : memref<8192xi32, #tpu.memory_space<vmem>>, vector<16xi32>,
      tpu.vector_store %arg10[%swap3A_120], %add3A_115 {strides = array<i32>} : memref<8192xi32, #tpu.memory_space<vmem>>, vector<16xi32>,
      %add3A_122 = arith.constant 640 : i32
      %add3A_123 = vector.broadcast %add3A_122 : i32 to vector<16xi32>
      %add3A_124 = arith.addi %add3A_76, %add3A_123 : vector<16xi32>
      %mul3A_125 = arith.constant 256 : i32
      %mul3A_126 = arith.muli %scan3A_65, %mul3A_125 : i32
      %add3A_127 = arith.constant 80 : i32
      %add3A_128 = arith.addi %mul3A_126, %add3A_127 : i32
      %swap3A_129 = arith.index_cast %add3A_128 : i32 to index
      %swap3A_130 = tpu.vector_load %arg10[%swap3A_129] {strides = array<i32>} : memref<8192xi32, #tpu.memory_space<vmem>>, vector<16xi32>,
      tpu.vector_store %arg10[%swap3A_129], %add3A_124 {strides = array<i32>} : memref<8192xi32, #tpu.memory_space<vmem>>, vector<16xi32>,
      %add3A_131 = arith.constant 768 : i32
      %add3A_132 = vector.broadcast %add3A_131 : i32 to vector<16xi32>
      %add3A_133 = arith.addi %add3A_76, %add3A_132 : vector<16xi32>
      %mul3A_134 = arith.constant 256 : i32
      %mul3A_135 = arith.muli %scan3A_65, %mul3A_134 : i32
      %add3A_136 = arith.constant 96 : i32
      %add3A_137 = arith.addi %mul3A_135, %add3A_136 : i32
      %swap3A_138 = arith.index_cast %add3A_137 : i32 to index
      %swap3A_139 = tpu.vector_load %arg10[%swap3A_138] {strides = array<i32>} : memref<8192xi32, #tpu.memory_space<vmem>>, vector<16xi32>,
      tpu.vector_store %arg10[%swap3A_138], %add3A_133 {strides = array<i32>} : memref<8192xi32, #tpu.memory_space<vmem>>, vector<16xi32>,
      %add3A_140 = arith.constant 896 : i32
      %add3A_141 = vector.broadcast %add3A_140 : i32 to vector<16xi32>
      %add3A_142 = arith.addi %add3A_76, %add3A_141 : vector<16xi32>
      %mul3A_143 = arith.constant 256 : i32
      %mul3A_144 = arith.muli %scan3A_65, %mul3A_143 : i32
      %add3A_145 = arith.constant 112 : i32
      %add3A_146 = arith.addi %mul3A_144, %add3A_145 : i32
      %swap3A_147 = arith.index_cast %add3A_146 : i32 to index
      %swap3A_148 = tpu.vector_load %arg10[%swap3A_147] {strides = array<i32>} : memref<8192xi32, #tpu.memory_space<vmem>>, vector<16xi32>,
      tpu.vector_store %arg10[%swap3A_147], %add3A_142 {strides = array<i32>} : memref<8192xi32, #tpu.memory_space<vmem>>, vector<16xi32>,
      %add3A_149 = arith.constant 16000000 : i32
      %add3A_150 = vector.broadcast %add3A_149 : i32 to vector<16xi32>
      %add3A_151 = arith.addi %add3A_76, %add3A_150 : vector<16xi32>
      %mul3A_152 = arith.constant 256 : i32
      %mul3A_153 = arith.muli %scan3A_65, %mul3A_152 : i32
      %add3A_154 = arith.constant 128 : i32
      %add3A_155 = arith.addi %mul3A_153, %add3A_154 : i32
      %swap3A_156 = arith.index_cast %add3A_155 : i32 to index
      %swap3A_157 = tpu.vector_load %arg10[%swap3A_156] {strides = array<i32>} : memref<8192xi32, #tpu.memory_space<vmem>>, vector<16xi32>,
      tpu.vector_store %arg10[%swap3A_156], %add3A_151 {strides = array<i32>} : memref<8192xi32, #tpu.memory_space<vmem>>, vector<16xi32>,
      %add3A_158 = arith.constant 16000128 : i32
      %add3A_159 = vector.broadcast %add3A_158 : i32 to vector<16xi32>
      %add3A_160 = arith.addi %add3A_76, %add3A_159 : vector<16xi32>
      %mul3A_161 = arith.constant 256 : i32
      %mul3A_162 = arith.muli %scan3A_65, %mul3A_161 : i32
      %add3A_163 = arith.constant 144 : i32
      %add3A_164 = arith.addi %mul3A_162, %add3A_163 : i32
      %swap3A_165 = arith.index_cast %add3A_164 : i32 to index
      %swap3A_166 = tpu.vector_load %arg10[%swap3A_165] {strides = array<i32>} : memref<8192xi32, #tpu.memory_space<vmem>>, vector<16xi32>,
      tpu.vector_store %arg10[%swap3A_165], %add3A_160 {strides = array<i32>} : memref<8192xi32, #tpu.memory_space<vmem>>, vector<16xi32>,
      %add3A_167 = arith.constant 16000256 : i32
      %add3A_168 = vector.broadcast %add3A_167 : i32 to vector<16xi32>
      %add3A_169 = arith.addi %add3A_76, %add3A_168 : vector<16xi32>
      %mul3A_170 = arith.constant 256 : i32
      %mul3A_171 = arith.muli %scan3A_65, %mul3A_170 : i32
      %add3A_172 = arith.constant 160 : i32
      %add3A_173 = arith.addi %mul3A_171, %add3A_172 : i32
      %swap3A_174 = arith.index_cast %add3A_173 : i32 to index
      %swap3A_175 = tpu.vector_load %arg10[%swap3A_174] {strides = array<i32>} : memref<8192xi32, #tpu.memory_space<vmem>>, vector<16xi32>,
      tpu.vector_store %arg10[%swap3A_174], %add3A_169 {strides = array<i32>} : memref<8192xi32, #tpu.memory_space<vmem>>, vector<16xi32>,
      %add3A_176 = arith.constant 16000384 : i32
      %add3A_177 = vector.broadcast %add3A_176 : i32 to vector<16xi32>
      %add3A_178 = arith.addi %add3A_76, %add3A_177 : vector<16xi32>
      %mul3A_179 = arith.constant 256 : i32
      %mul3A_180 = arith.muli %scan3A_65, %mul3A_179 : i32
      %add3A_181 = arith.constant 176 : i32
      %add3A_182 = arith.addi %mul3A_180, %add3A_181 : i32
      %swap3A_183 = arith.index_cast %add3A_182 : i32 to index
      %swap3A_184 = tpu.vector_load %arg10[%swap3A_183] {strides = array<i32>} : memref<8192xi32, #tpu.memory_space<vmem>>, vector<16xi32>,
      tpu.vector_store %arg10[%swap3A_183], %add3A_178 {strides = array<i32>} : memref<8192xi32, #tpu.memory_space<vmem>>, vector<16xi32>,
      %add3A_185 = arith.constant 16000512 : i32
      %add3A_186 = vector.broadcast %add3A_185 : i32 to vector<16xi32>
      %add3A_187 = arith.addi %add3A_76, %add3A_186 : vector<16xi32>
      %mul3A_188 = arith.constant 256 : i32
      %mul3A_189 = arith.muli %scan3A_65, %mul3A_188 : i32
      %add3A_190 = arith.constant 192 : i32
      %add3A_191 = arith.addi %mul3A_189, %add3A_190 : i32
      %swap3A_192 = arith.index_cast %add3A_191 : i32 to index
      %swap3A_193 = tpu.vector_load %arg10[%swap3A_192] {strides = array<i32>} : memref<8192xi32, #tpu.memory_space<vmem>>, vector<16xi32>,
      tpu.vector_store %arg10[%swap3A_192], %add3A_187 {strides = array<i32>} : memref<8192xi32, #tpu.memory_space<vmem>>, vector<16xi32>,
      %add3A_194 = arith.constant 16000640 : i32
      %add3A_195 = vector.broadcast %add3A_194 : i32 to vector<16xi32>
      %add3A_196 = arith.addi %add3A_76, %add3A_195 : vector<16xi32>
      %mul3A_197 = arith.constant 256 : i32
      %mul3A_198 = arith.muli %scan3A_65, %mul3A_197 : i32
      %add3A_199 = arith.constant 208 : i32
      %add3A_200 = arith.addi %mul3A_198, %add3A_199 : i32
      %swap3A_201 = arith.index_cast %add3A_200 : i32 to index
      %swap3A_202 = tpu.vector_load %arg10[%swap3A_201] {strides = array<i32>} : memref<8192xi32, #tpu.memory_space<vmem>>, vector<16xi32>,
      tpu.vector_store %arg10[%swap3A_201], %add3A_196 {strides = array<i32>} : memref<8192xi32, #tpu.memory_space<vmem>>, vector<16xi32>,
      %add3A_203 = arith.constant 16000768 : i32
      %add3A_204 = vector.broadcast %add3A_203 : i32 to vector<16xi32>
      %add3A_205 = arith.addi %add3A_76, %add3A_204 : vector<16xi32>
      %mul3A_206 = arith.constant 256 : i32
      %mul3A_207 = arith.muli %scan3A_65, %mul3A_206 : i32
      %add3A_208 = arith.constant 224 : i32
      %add3A_209 = arith.addi %mul3A_207, %add3A_208 : i32
      %swap3A_210 = arith.index_cast %add3A_209 : i32 to index
      %swap3A_211 = tpu.vector_load %arg10[%swap3A_210] {strides = array<i32>} : memref<8192xi32, #tpu.memory_space<vmem>>, vector<16xi32>,
      tpu.vector_store %arg10[%swap3A_210], %add3A_205 {strides = array<i32>} : memref<8192xi32, #tpu.memory_space<vmem>>, vector<16xi32>,
      %add3A_212 = arith.constant 16000896 : i32
      %add3A_213 = vector.broadcast %add3A_212 : i32 to vector<16xi32>
      %add3A_214 = arith.addi %add3A_76, %add3A_213 : vector<16xi32>
      %mul3A_215 = arith.constant 256 : i32
      %mul3A_216 = arith.muli %scan3A_65, %mul3A_215 : i32
      %add3A_217 = arith.constant 240 : i32
      %add3A_218 = arith.addi %mul3A_216, %add3A_217 : i32
      %swap3A_219 = arith.index_cast %add3A_218 : i32 to index
      %swap3A_220 = tpu.vector_load %arg10[%swap3A_219] {strides = array<i32>} : memref<8192xi32, #tpu.memory_space<vmem>>, vector<16xi32>,
      tpu.vector_store %arg10[%swap3A_219], %add3A_214 {strides = array<i32>} : memref<8192xi32, #tpu.memory_space<vmem>>, vector<16xi32>,
      %mul3A_221 = arith.constant 16 : i32
      %mul3A_222 = arith.muli %scan3A_65, %mul3A_221 : i32
      %get3A_223 = arith.index_cast %mul3A_222 : i32 to index
      %get3A_224 = tpu.vector_load %arg8[%get3A_223] {strides = array<i32>} : memref<512xi32, #tpu.memory_space<vmem>>, vector<16xi32>,
      %shift_right_arithmetic3A_225 = arith.constant 7 : i32
      %shift_right_arithmetic3A_226 = vector.broadcast %shift_right_arithmetic3A_225 : i32 to vector<16xi32>
      %shift_right_arithmetic3A_227 = arith.shrsi %get3A_224, %shift_right_arithmetic3A_226 : vector<16xi32>
      %shift_left3A_228 = arith.constant 10 : i32
      %shift_left3A_229 = vector.broadcast %shift_left3A_228 : i32 to vector<16xi32>
      %shift_left3A_230 = arith.shli %shift_right_arithmetic3A_227, %shift_left3A_229 : vector<16xi32>
      %and3A_231 = arith.constant 127 : i32
      %and3A_232 = vector.broadcast %and3A_231 : i32 to vector<16xi32>
      %and3A_233 = arith.andi %get3A_224, %and3A_232 : vector<16xi32>
      %add3A_234 = arith.addi %shift_left3A_230, %and3A_233 : vector<16xi32>
      %add3A_235 = arith.constant 0 : i32
      %add3A_236 = vector.broadcast %add3A_235 : i32 to vector<16xi32>
      %add3A_237 = arith.addi %add3A_234, %add3A_236 : vector<16xi32>
      %mul3A_238 = arith.constant 256 : i32
      %mul3A_239 = arith.muli %scan3A_65, %mul3A_238 : i32
      %add3A_240 = arith.constant 0 : i32
      %add3A_241 = arith.addi %mul3A_239, %add3A_240 : i32
      %swap3A_242 = arith.index_cast %add3A_241 : i32 to index
      %swap3A_243 = tpu.vector_load %arg11[%swap3A_242] {strides = array<i32>} : memref<8192xi32, #tpu.memory_space<vmem>>, vector<16xi32>,
      tpu.vector_store %arg11[%swap3A_242], %add3A_237 {strides = array<i32>} : memref<8192xi32, #tpu.memory_space<vmem>>, vector<16xi32>,
      %add3A_244 = arith.constant 128 : i32
      %add3A_245 = vector.broadcast %add3A_244 : i32 to vector<16xi32>
      %add3A_246 = arith.addi %add3A_234, %add3A_245 : vector<16xi32>
      %mul3A_247 = arith.constant 256 : i32
      %mul3A_248 = arith.muli %scan3A_65, %mul3A_247 : i32
      %add3A_249 = arith.constant 16 : i32
      %add3A_250 = arith.addi %mul3A_248, %add3A_249 : i32
      %swap3A_251 = arith.index_cast %add3A_250 : i32 to index
      %swap3A_252 = tpu.vector_load %arg11[%swap3A_251] {strides = array<i32>} : memref<8192xi32, #tpu.memory_space<vmem>>, vector<16xi32>,
      tpu.vector_store %arg11[%swap3A_251], %add3A_246 {strides = array<i32>} : memref<8192xi32, #tpu.memory_space<vmem>>, vector<16xi32>,
      %add3A_253 = arith.constant 256 : i32
      %add3A_254 = vector.broadcast %add3A_253 : i32 to vector<16xi32>
      %add3A_255 = arith.addi %add3A_234, %add3A_254 : vector<16xi32>
      %mul3A_256 = arith.constant 256 : i32
      %mul3A_257 = arith.muli %scan3A_65, %mul3A_256 : i32
      %add3A_258 = arith.constant 32 : i32
      %add3A_259 = arith.addi %mul3A_257, %add3A_258 : i32
      %swap3A_260 = arith.index_cast %add3A_259 : i32 to index
      %swap3A_261 = tpu.vector_load %arg11[%swap3A_260] {strides = array<i32>} : memref<8192xi32, #tpu.memory_space<vmem>>, vector<16xi32>,
      tpu.vector_store %arg11[%swap3A_260], %add3A_255 {strides = array<i32>} : memref<8192xi32, #tpu.memory_space<vmem>>, vector<16xi32>,
      %add3A_262 = arith.constant 384 : i32
      %add3A_263 = vector.broadcast %add3A_262 : i32 to vector<16xi32>
      %add3A_264 = arith.addi %add3A_234, %add3A_263 : vector<16xi32>
      %mul3A_265 = arith.constant 256 : i32
      %mul3A_266 = arith.muli %scan3A_65, %mul3A_265 : i32
      %add3A_267 = arith.constant 48 : i32
      %add3A_268 = arith.addi %mul3A_266, %add3A_267 : i32
      %swap3A_269 = arith.index_cast %add3A_268 : i32 to index
      %swap3A_270 = tpu.vector_load %arg11[%swap3A_269] {strides = array<i32>} : memref<8192xi32, #tpu.memory_space<vmem>>, vector<16xi32>,
      tpu.vector_store %arg11[%swap3A_269], %add3A_264 {strides = array<i32>} : memref<8192xi32, #tpu.memory_space<vmem>>, vector<16xi32>,
      %add3A_271 = arith.constant 512 : i32
      %add3A_272 = vector.broadcast %add3A_271 : i32 to vector<16xi32>
      %add3A_273 = arith.addi %add3A_234, %add3A_272 : vector<16xi32>
      %mul3A_274 = arith.constant 256 : i32
      %mul3A_275 = arith.muli %scan3A_65, %mul3A_274 : i32
      %add3A_276 = arith.constant 64 : i32
      %add3A_277 = arith.addi %mul3A_275, %add3A_276 : i32
      %swap3A_278 = arith.index_cast %add3A_277 : i32 to index
      %swap3A_279 = tpu.vector_load %arg11[%swap3A_278] {strides = array<i32>} : memref<8192xi32, #tpu.memory_space<vmem>>, vector<16xi32>,
      tpu.vector_store %arg11[%swap3A_278], %add3A_273 {strides = array<i32>} : memref<8192xi32, #tpu.memory_space<vmem>>, vector<16xi32>,
      %add3A_280 = arith.constant 640 : i32
      %add3A_281 = vector.broadcast %add3A_280 : i32 to vector<16xi32>
      %add3A_282 = arith.addi %add3A_234, %add3A_281 : vector<16xi32>
      %mul3A_283 = arith.constant 256 : i32
      %mul3A_284 = arith.muli %scan3A_65, %mul3A_283 : i32
      %add3A_285 = arith.constant 80 : i32
      %add3A_286 = arith.addi %mul3A_284, %add3A_285 : i32
      %swap3A_287 = arith.index_cast %add3A_286 : i32 to index
      %swap3A_288 = tpu.vector_load %arg11[%swap3A_287] {strides = array<i32>} : memref<8192xi32, #tpu.memory_space<vmem>>, vector<16xi32>,
      tpu.vector_store %arg11[%swap3A_287], %add3A_282 {strides = array<i32>} : memref<8192xi32, #tpu.memory_space<vmem>>, vector<16xi32>,
      %add3A_289 = arith.constant 768 : i32
      %add3A_290 = vector.broadcast %add3A_289 : i32 to vector<16xi32>
      %add3A_291 = arith.addi %add3A_234, %add3A_290 : vector<16xi32>
      %mul3A_292 = arith.constant 256 : i32
      %mul3A_293 = arith.muli %scan3A_65, %mul3A_292 : i32
      %add3A_294 = arith.constant 96 : i32
      %add3A_295 = arith.addi %mul3A_293, %add3A_294 : i32
      %swap3A_296 = arith.index_cast %add3A_295 : i32 to index
      %swap3A_297 = tpu.vector_load %arg11[%swap3A_296] {strides = array<i32>} : memref<8192xi32, #tpu.memory_space<vmem>>, vector<16xi32>,
      tpu.vector_store %arg11[%swap3A_296], %add3A_291 {strides = array<i32>} : memref<8192xi32, #tpu.memory_space<vmem>>, vector<16xi32>,
      %add3A_298 = arith.constant 896 : i32
      %add3A_299 = vector.broadcast %add3A_298 : i32 to vector<16xi32>
      %add3A_300 = arith.addi %add3A_234, %add3A_299 : vector<16xi32>
      %mul3A_301 = arith.constant 256 : i32
      %mul3A_302 = arith.muli %scan3A_65, %mul3A_301 : i32
      %add3A_303 = arith.constant 112 : i32
      %add3A_304 = arith.addi %mul3A_302, %add3A_303 : i32
      %swap3A_305 = arith.index_cast %add3A_304 : i32 to index
      %swap3A_306 = tpu.vector_load %arg11[%swap3A_305] {strides = array<i32>} : memref<8192xi32, #tpu.memory_space<vmem>>, vector<16xi32>,
      tpu.vector_store %arg11[%swap3A_305], %add3A_300 {strides = array<i32>} : memref<8192xi32, #tpu.memory_space<vmem>>, vector<16xi32>,
      %add3A_307 = arith.constant 16000000 : i32
      %add3A_308 = vector.broadcast %add3A_307 : i32 to vector<16xi32>
      %add3A_309 = arith.addi %add3A_234, %add3A_308 : vector<16xi32>
      %mul3A_310 = arith.constant 256 : i32
      %mul3A_311 = arith.muli %scan3A_65, %mul3A_310 : i32
      %add3A_312 = arith.constant 128 : i32
      %add3A_313 = arith.addi %mul3A_311, %add3A_312 : i32
      %swap3A_314 = arith.index_cast %add3A_313 : i32 to index
      %swap3A_315 = tpu.vector_load %arg11[%swap3A_314] {strides = array<i32>} : memref<8192xi32, #tpu.memory_space<vmem>>, vector<16xi32>,
      tpu.vector_store %arg11[%swap3A_314], %add3A_309 {strides = array<i32>} : memref<8192xi32, #tpu.memory_space<vmem>>, vector<16xi32>,
      %add3A_316 = arith.constant 16000128 : i32
      %add3A_317 = vector.broadcast %add3A_316 : i32 to vector<16xi32>
      %add3A_318 = arith.addi %add3A_234, %add3A_317 : vector<16xi32>
      %mul3A_319 = arith.constant 256 : i32
      %mul3A_320 = arith.muli %scan3A_65, %mul3A_319 : i32
      %add3A_321 = arith.constant 144 : i32
      %add3A_322 = arith.addi %mul3A_320, %add3A_321 : i32
      %swap3A_323 = arith.index_cast %add3A_322 : i32 to index
      %swap3A_324 = tpu.vector_load %arg11[%swap3A_323] {strides = array<i32>} : memref<8192xi32, #tpu.memory_space<vmem>>, vector<16xi32>,
      tpu.vector_store %arg11[%swap3A_323], %add3A_318 {strides = array<i32>} : memref<8192xi32, #tpu.memory_space<vmem>>, vector<16xi32>,
      %add3A_325 = arith.constant 16000256 : i32
      %add3A_326 = vector.broadcast %add3A_325 : i32 to vector<16xi32>
      %add3A_327 = arith.addi %add3A_234, %add3A_326 : vector<16xi32>
      %mul3A_328 = arith.constant 256 : i32
      %mul3A_329 = arith.muli %scan3A_65, %mul3A_328 : i32
      %add3A_330 = arith.constant 160 : i32
      %add3A_331 = arith.addi %mul3A_329, %add3A_330 : i32
      %swap3A_332 = arith.index_cast %add3A_331 : i32 to index
      %swap3A_333 = tpu.vector_load %arg11[%swap3A_332] {strides = array<i32>} : memref<8192xi32, #tpu.memory_space<vmem>>, vector<16xi32>,
      tpu.vector_store %arg11[%swap3A_332], %add3A_327 {strides = array<i32>} : memref<8192xi32, #tpu.memory_space<vmem>>, vector<16xi32>,
      %add3A_334 = arith.constant 16000384 : i32
      %add3A_335 = vector.broadcast %add3A_334 : i32 to vector<16xi32>
      %add3A_336 = arith.addi %add3A_234, %add3A_335 : vector<16xi32>
      %mul3A_337 = arith.constant 256 : i32
      %mul3A_338 = arith.muli %scan3A_65, %mul3A_337 : i32
      %add3A_339 = arith.constant 176 : i32
      %add3A_340 = arith.addi %mul3A_338, %add3A_339 : i32
      %swap3A_341 = arith.index_cast %add3A_340 : i32 to index
      %swap3A_342 = tpu.vector_load %arg11[%swap3A_341] {strides = array<i32>} : memref<8192xi32, #tpu.memory_space<vmem>>, vector<16xi32>,
      tpu.vector_store %arg11[%swap3A_341], %add3A_336 {strides = array<i32>} : memref<8192xi32, #tpu.memory_space<vmem>>, vector<16xi32>,
      %add3A_343 = arith.constant 16000512 : i32
      %add3A_344 = vector.broadcast %add3A_343 : i32 to vector<16xi32>
      %add3A_345 = arith.addi %add3A_234, %add3A_344 : vector<16xi32>
      %mul3A_346 = arith.constant 256 : i32
      %mul3A_347 = arith.muli %scan3A_65, %mul3A_346 : i32
      %add3A_348 = arith.constant 192 : i32
      %add3A_349 = arith.addi %mul3A_347, %add3A_348 : i32
      %swap3A_350 = arith.index_cast %add3A_349 : i32 to index
      %swap3A_351 = tpu.vector_load %arg11[%swap3A_350] {strides = array<i32>} : memref<8192xi32, #tpu.memory_space<vmem>>, vector<16xi32>,
      tpu.vector_store %arg11[%swap3A_350], %add3A_345 {strides = array<i32>} : memref<8192xi32, #tpu.memory_space<vmem>>, vector<16xi32>,
      %add3A_352 = arith.constant 16000640 : i32
      %add3A_353 = vector.broadcast %add3A_352 : i32 to vector<16xi32>
      %add3A_354 = arith.addi %add3A_234, %add3A_353 : vector<16xi32>
      %mul3A_355 = arith.constant 256 : i32
      %mul3A_356 = arith.muli %scan3A_65, %mul3A_355 : i32
      %add3A_357 = arith.constant 208 : i32
      %add3A_358 = arith.addi %mul3A_356, %add3A_357 : i32
      %swap3A_359 = arith.index_cast %add3A_358 : i32 to index
      %swap3A_360 = tpu.vector_load %arg11[%swap3A_359] {strides = array<i32>} : memref<8192xi32, #tpu.memory_space<vmem>>, vector<16xi32>,
      tpu.vector_store %arg11[%swap3A_359], %add3A_354 {strides = array<i32>} : memref<8192xi32, #tpu.memory_space<vmem>>, vector<16xi32>,
      %add3A_361 = arith.constant 16000768 : i32
      %add3A_362 = vector.broadcast %add3A_361 : i32 to vector<16xi32>
      %add3A_363 = arith.addi %add3A_234, %add3A_362 : vector<16xi32>
      %mul3A_364 = arith.constant 256 : i32
      %mul3A_365 = arith.muli %scan3A_65, %mul3A_364 : i32
      %add3A_366 = arith.constant 224 : i32
      %add3A_367 = arith.addi %mul3A_365, %add3A_366 : i32
      %swap3A_368 = arith.index_cast %add3A_367 : i32 to index
      %swap3A_369 = tpu.vector_load %arg11[%swap3A_368] {strides = array<i32>} : memref<8192xi32, #tpu.memory_space<vmem>>, vector<16xi32>,
      tpu.vector_store %arg11[%swap3A_368], %add3A_363 {strides = array<i32>} : memref<8192xi32, #tpu.memory_space<vmem>>, vector<16xi32>,
      %add3A_370 = arith.constant 16000896 : i32
      %add3A_371 = vector.broadcast %add3A_370 : i32 to vector<16xi32>
      %add3A_372 = arith.addi %add3A_234, %add3A_371 : vector<16xi32>
      %mul3A_373 = arith.constant 256 : i32
      %mul3A_374 = arith.muli %scan3A_65, %mul3A_373 : i32
      %add3A_375 = arith.constant 240 : i32
      %add3A_376 = arith.addi %mul3A_374, %add3A_375 : i32
      %swap3A_377 = arith.index_cast %add3A_376 : i32 to index
      %swap3A_378 = tpu.vector_load %arg11[%swap3A_377] {strides = array<i32>} : memref<8192xi32, #tpu.memory_space<vmem>>, vector<16xi32>,
      tpu.vector_store %arg11[%swap3A_377], %add3A_372 {strides = array<i32>} : memref<8192xi32, #tpu.memory_space<vmem>>, vector<16xi32>,
      %mul3A_379 = arith.constant 16 : i32
      %mul3A_380 = arith.muli %scan3A_65, %mul3A_379 : i32
      %get3A_381 = arith.index_cast %mul3A_380 : i32 to index
      %get3A_382 = tpu.vector_load %arg9[%get3A_381] {strides = array<i32>} : memref<512xi32, #tpu.memory_space<vmem>>, vector<16xi32>,
      %shift_right_arithmetic3A_383 = arith.constant 7 : i32
      %shift_right_arithmetic3A_384 = vector.broadcast %shift_right_arithmetic3A_383 : i32 to vector<16xi32>
      %shift_right_arithmetic3A_385 = arith.shrsi %get3A_382, %shift_right_arithmetic3A_384 : vector<16xi32>
      %shift_left3A_386 = arith.constant 10 : i32
      %shift_left3A_387 = vector.broadcast %shift_left3A_386 : i32 to vector<16xi32>
      %shift_left3A_388 = arith.shli %shift_right_arithmetic3A_385, %shift_left3A_387 : vector<16xi32>
      %and3A_389 = arith.constant 127 : i32
      %and3A_390 = vector.broadcast %and3A_389 : i32 to vector<16xi32>
      %and3A_391 = arith.andi %get3A_382, %and3A_390 : vector<16xi32>
      %add3A_392 = arith.addi %shift_left3A_388, %and3A_391 : vector<16xi32>
      %add3A_393 = arith.constant 0 : i32
      %add3A_394 = vector.broadcast %add3A_393 : i32 to vector<16xi32>
      %add3A_395 = arith.addi %add3A_392, %add3A_394 : vector<16xi32>
      %mul3A_396 = arith.constant 256 : i32
      %mul3A_397 = arith.muli %scan3A_65, %mul3A_396 : i32
      %add3A_398 = arith.constant 0 : i32
      %add3A_399 = arith.addi %mul3A_397, %add3A_398 : i32
      %swap3A_400 = arith.index_cast %add3A_399 : i32 to index
      %swap3A_401 = tpu.vector_load %arg12[%swap3A_400] {strides = array<i32>} : memref<8192xi32, #tpu.memory_space<vmem>>, vector<16xi32>,
      tpu.vector_store %arg12[%swap3A_400], %add3A_395 {strides = array<i32>} : memref<8192xi32, #tpu.memory_space<vmem>>, vector<16xi32>,
      %add3A_402 = arith.constant 128 : i32
      %add3A_403 = vector.broadcast %add3A_402 : i32 to vector<16xi32>
      %add3A_404 = arith.addi %add3A_392, %add3A_403 : vector<16xi32>
      %mul3A_405 = arith.constant 256 : i32
      %mul3A_406 = arith.muli %scan3A_65, %mul3A_405 : i32
      %add3A_407 = arith.constant 16 : i32
      %add3A_408 = arith.addi %mul3A_406, %add3A_407 : i32
      %swap3A_409 = arith.index_cast %add3A_408 : i32 to index
      %swap3A_410 = tpu.vector_load %arg12[%swap3A_409] {strides = array<i32>} : memref<8192xi32, #tpu.memory_space<vmem>>, vector<16xi32>,
      tpu.vector_store %arg12[%swap3A_409], %add3A_404 {strides = array<i32>} : memref<8192xi32, #tpu.memory_space<vmem>>, vector<16xi32>,
      %add3A_411 = arith.constant 256 : i32
      %add3A_412 = vector.broadcast %add3A_411 : i32 to vector<16xi32>
      %add3A_413 = arith.addi %add3A_392, %add3A_412 : vector<16xi32>
      %mul3A_414 = arith.constant 256 : i32
      %mul3A_415 = arith.muli %scan3A_65, %mul3A_414 : i32
      %add3A_416 = arith.constant 32 : i32
      %add3A_417 = arith.addi %mul3A_415, %add3A_416 : i32
      %swap3A_418 = arith.index_cast %add3A_417 : i32 to index
      %swap3A_419 = tpu.vector_load %arg12[%swap3A_418] {strides = array<i32>} : memref<8192xi32, #tpu.memory_space<vmem>>, vector<16xi32>,
      tpu.vector_store %arg12[%swap3A_418], %add3A_413 {strides = array<i32>} : memref<8192xi32, #tpu.memory_space<vmem>>, vector<16xi32>,
      %add3A_420 = arith.constant 384 : i32
      %add3A_421 = vector.broadcast %add3A_420 : i32 to vector<16xi32>
      %add3A_422 = arith.addi %add3A_392, %add3A_421 : vector<16xi32>
      %mul3A_423 = arith.constant 256 : i32
      %mul3A_424 = arith.muli %scan3A_65, %mul3A_423 : i32
      %add3A_425 = arith.constant 48 : i32
      %add3A_426 = arith.addi %mul3A_424, %add3A_425 : i32
      %swap3A_427 = arith.index_cast %add3A_426 : i32 to index
      %swap3A_428 = tpu.vector_load %arg12[%swap3A_427] {strides = array<i32>} : memref<8192xi32, #tpu.memory_space<vmem>>, vector<16xi32>,
      tpu.vector_store %arg12[%swap3A_427], %add3A_422 {strides = array<i32>} : memref<8192xi32, #tpu.memory_space<vmem>>, vector<16xi32>,
      %add3A_429 = arith.constant 512 : i32
      %add3A_430 = vector.broadcast %add3A_429 : i32 to vector<16xi32>
      %add3A_431 = arith.addi %add3A_392, %add3A_430 : vector<16xi32>
      %mul3A_432 = arith.constant 256 : i32
      %mul3A_433 = arith.muli %scan3A_65, %mul3A_432 : i32
      %add3A_434 = arith.constant 64 : i32
      %add3A_435 = arith.addi %mul3A_433, %add3A_434 : i32
      %swap3A_436 = arith.index_cast %add3A_435 : i32 to index
      %swap3A_437 = tpu.vector_load %arg12[%swap3A_436] {strides = array<i32>} : memref<8192xi32, #tpu.memory_space<vmem>>, vector<16xi32>,
      tpu.vector_store %arg12[%swap3A_436], %add3A_431 {strides = array<i32>} : memref<8192xi32, #tpu.memory_space<vmem>>, vector<16xi32>,
      %add3A_438 = arith.constant 640 : i32
      %add3A_439 = vector.broadcast %add3A_438 : i32 to vector<16xi32>
      %add3A_440 = arith.addi %add3A_392, %add3A_439 : vector<16xi32>
      %mul3A_441 = arith.constant 256 : i32
      %mul3A_442 = arith.muli %scan3A_65, %mul3A_441 : i32
      %add3A_443 = arith.constant 80 : i32
      %add3A_444 = arith.addi %mul3A_442, %add3A_443 : i32
      %swap3A_445 = arith.index_cast %add3A_444 : i32 to index
      %swap3A_446 = tpu.vector_load %arg12[%swap3A_445] {strides = array<i32>} : memref<8192xi32, #tpu.memory_space<vmem>>, vector<16xi32>,
      tpu.vector_store %arg12[%swap3A_445], %add3A_440 {strides = array<i32>} : memref<8192xi32, #tpu.memory_space<vmem>>, vector<16xi32>,
      %add3A_447 = arith.constant 768 : i32
      %add3A_448 = vector.broadcast %add3A_447 : i32 to vector<16xi32>
      %add3A_449 = arith.addi %add3A_392, %add3A_448 : vector<16xi32>
      %mul3A_450 = arith.constant 256 : i32
      %mul3A_451 = arith.muli %scan3A_65, %mul3A_450 : i32
      %add3A_452 = arith.constant 96 : i32
      %add3A_453 = arith.addi %mul3A_451, %add3A_452 : i32
      %swap3A_454 = arith.index_cast %add3A_453 : i32 to index
      %swap3A_455 = tpu.vector_load %arg12[%swap3A_454] {strides = array<i32>} : memref<8192xi32, #tpu.memory_space<vmem>>, vector<16xi32>,
      tpu.vector_store %arg12[%swap3A_454], %add3A_449 {strides = array<i32>} : memref<8192xi32, #tpu.memory_space<vmem>>, vector<16xi32>,
      %add3A_456 = arith.constant 896 : i32
      %add3A_457 = vector.broadcast %add3A_456 : i32 to vector<16xi32>
      %add3A_458 = arith.addi %add3A_392, %add3A_457 : vector<16xi32>
      %mul3A_459 = arith.constant 256 : i32
      %mul3A_460 = arith.muli %scan3A_65, %mul3A_459 : i32
      %add3A_461 = arith.constant 112 : i32
      %add3A_462 = arith.addi %mul3A_460, %add3A_461 : i32
      %swap3A_463 = arith.index_cast %add3A_462 : i32 to index
      %swap3A_464 = tpu.vector_load %arg12[%swap3A_463] {strides = array<i32>} : memref<8192xi32, #tpu.memory_space<vmem>>, vector<16xi32>,
      tpu.vector_store %arg12[%swap3A_463], %add3A_458 {strides = array<i32>} : memref<8192xi32, #tpu.memory_space<vmem>>, vector<16xi32>,
      %add3A_465 = arith.constant 16000000 : i32
      %add3A_466 = vector.broadcast %add3A_465 : i32 to vector<16xi32>
      %add3A_467 = arith.addi %add3A_392, %add3A_466 : vector<16xi32>
      %mul3A_468 = arith.constant 256 : i32
      %mul3A_469 = arith.muli %scan3A_65, %mul3A_468 : i32
      %add3A_470 = arith.constant 128 : i32
      %add3A_471 = arith.addi %mul3A_469, %add3A_470 : i32
      %swap3A_472 = arith.index_cast %add3A_471 : i32 to index
      %swap3A_473 = tpu.vector_load %arg12[%swap3A_472] {strides = array<i32>} : memref<8192xi32, #tpu.memory_space<vmem>>, vector<16xi32>,
      tpu.vector_store %arg12[%swap3A_472], %add3A_467 {strides = array<i32>} : memref<8192xi32, #tpu.memory_space<vmem>>, vector<16xi32>,
      %add3A_474 = arith.constant 16000128 : i32
      %add3A_475 = vector.broadcast %add3A_474 : i32 to vector<16xi32>
      %add3A_476 = arith.addi %add3A_392, %add3A_475 : vector<16xi32>
      %mul3A_477 = arith.constant 256 : i32
      %mul3A_478 = arith.muli %scan3A_65, %mul3A_477 : i32
      %add3A_479 = arith.constant 144 : i32
      %add3A_480 = arith.addi %mul3A_478, %add3A_479 : i32
      %swap3A_481 = arith.index_cast %add3A_480 : i32 to index
      %swap3A_482 = tpu.vector_load %arg12[%swap3A_481] {strides = array<i32>} : memref<8192xi32, #tpu.memory_space<vmem>>, vector<16xi32>,
      tpu.vector_store %arg12[%swap3A_481], %add3A_476 {strides = array<i32>} : memref<8192xi32, #tpu.memory_space<vmem>>, vector<16xi32>,
      %add3A_483 = arith.constant 16000256 : i32
      %add3A_484 = vector.broadcast %add3A_483 : i32 to vector<16xi32>
      %add3A_485 = arith.addi %add3A_392, %add3A_484 : vector<16xi32>
      %mul3A_486 = arith.constant 256 : i32
      %mul3A_487 = arith.muli %scan3A_65, %mul3A_486 : i32
      %add3A_488 = arith.constant 160 : i32
      %add3A_489 = arith.addi %mul3A_487, %add3A_488 : i32
      %swap3A_490 = arith.index_cast %add3A_489 : i32 to index
      %swap3A_491 = tpu.vector_load %arg12[%swap3A_490] {strides = array<i32>} : memref<8192xi32, #tpu.memory_space<vmem>>, vector<16xi32>,
      tpu.vector_store %arg12[%swap3A_490], %add3A_485 {strides = array<i32>} : memref<8192xi32, #tpu.memory_space<vmem>>, vector<16xi32>,
      %add3A_492 = arith.constant 16000384 : i32
      %add3A_493 = vector.broadcast %add3A_492 : i32 to vector<16xi32>
      %add3A_494 = arith.addi %add3A_392, %add3A_493 : vector<16xi32>
      %mul3A_495 = arith.constant 256 : i32
      %mul3A_496 = arith.muli %scan3A_65, %mul3A_495 : i32
      %add3A_497 = arith.constant 176 : i32
      %add3A_498 = arith.addi %mul3A_496, %add3A_497 : i32
      %swap3A_499 = arith.index_cast %add3A_498 : i32 to index
      %swap3A_500 = tpu.vector_load %arg12[%swap3A_499] {strides = array<i32>} : memref<8192xi32, #tpu.memory_space<vmem>>, vector<16xi32>,
      tpu.vector_store %arg12[%swap3A_499], %add3A_494 {strides = array<i32>} : memref<8192xi32, #tpu.memory_space<vmem>>, vector<16xi32>,
      %add3A_501 = arith.constant 16000512 : i32
      %add3A_502 = vector.broadcast %add3A_501 : i32 to vector<16xi32>
      %add3A_503 = arith.addi %add3A_392, %add3A_502 : vector<16xi32>
      %mul3A_504 = arith.constant 256 : i32
      %mul3A_505 = arith.muli %scan3A_65, %mul3A_504 : i32
      %add3A_506 = arith.constant 192 : i32
      %add3A_507 = arith.addi %mul3A_505, %add3A_506 : i32
      %swap3A_508 = arith.index_cast %add3A_507 : i32 to index
      %swap3A_509 = tpu.vector_load %arg12[%swap3A_508] {strides = array<i32>} : memref<8192xi32, #tpu.memory_space<vmem>>, vector<16xi32>,
      tpu.vector_store %arg12[%swap3A_508], %add3A_503 {strides = array<i32>} : memref<8192xi32, #tpu.memory_space<vmem>>, vector<16xi32>,
      %add3A_510 = arith.constant 16000640 : i32
      %add3A_511 = vector.broadcast %add3A_510 : i32 to vector<16xi32>
      %add3A_512 = arith.addi %add3A_392, %add3A_511 : vector<16xi32>
      %mul3A_513 = arith.constant 256 : i32
      %mul3A_514 = arith.muli %scan3A_65, %mul3A_513 : i32
      %add3A_515 = arith.constant 208 : i32
      %add3A_516 = arith.addi %mul3A_514, %add3A_515 : i32
      %swap3A_517 = arith.index_cast %add3A_516 : i32 to index
      %swap3A_518 = tpu.vector_load %arg12[%swap3A_517] {strides = array<i32>} : memref<8192xi32, #tpu.memory_space<vmem>>, vector<16xi32>,
      tpu.vector_store %arg12[%swap3A_517], %add3A_512 {strides = array<i32>} : memref<8192xi32, #tpu.memory_space<vmem>>, vector<16xi32>,
      %add3A_519 = arith.constant 16000768 : i32
      %add3A_520 = vector.broadcast %add3A_519 : i32 to vector<16xi32>
      %add3A_521 = arith.addi %add3A_392, %add3A_520 : vector<16xi32>
      %mul3A_522 = arith.constant 256 : i32
      %mul3A_523 = arith.muli %scan3A_65, %mul3A_522 : i32
      %add3A_524 = arith.constant 224 : i32
      %add3A_525 = arith.addi %mul3A_523, %add3A_524 : i32
      %swap3A_526 = arith.index_cast %add3A_525 : i32 to index
      %swap3A_527 = tpu.vector_load %arg12[%swap3A_526] {strides = array<i32>} : memref<8192xi32, #tpu.memory_space<vmem>>, vector<16xi32>,
      tpu.vector_store %arg12[%swap3A_526], %add3A_521 {strides = array<i32>} : memref<8192xi32, #tpu.memory_space<vmem>>, vector<16xi32>,
      %add3A_528 = arith.constant 16000896 : i32
      %add3A_529 = vector.broadcast %add3A_528 : i32 to vector<16xi32>
      %add3A_530 = arith.addi %add3A_392, %add3A_529 : vector<16xi32>
      %mul3A_531 = arith.constant 256 : i32
      %mul3A_532 = arith.muli %scan3A_65, %mul3A_531 : i32
      %add3A_533 = arith.constant 240 : i32
      %add3A_534 = arith.addi %mul3A_532, %add3A_533 : i32
      %swap3A_535 = arith.index_cast %add3A_534 : i32 to index
      %swap3A_536 = tpu.vector_load %arg12[%swap3A_535] {strides = array<i32>} : memref<8192xi32, #tpu.memory_space<vmem>>, vector<16xi32>,
      tpu.vector_store %arg12[%swap3A_535], %add3A_530 {strides = array<i32>} : memref<8192xi32, #tpu.memory_space<vmem>>, vector<16xi32>,
      %scan3A_537 = arith.constant 0 : i32
      scf.yield %scan3A_537 : i32
    }
    %scan3A_6 = arith.constant 32 : i32
    %dma_start3A = arith.constant 0 : i32
    %dma_start3A_7 = tpu.memref_slice %arg13[%dma_start3A] : memref<8192xf32, #tpu.memory_space<vmem>> -> memref<8192xf32, #tpu.memory_space<vmem>>
    %dma_start3A_8 = arith.constant 0 : i32
    %dma_start3A_9 = tpu.memref_slice %arg10[%dma_start3A_8] : memref<8192xi32, #tpu.memory_space<vmem>> -> memref<8192xi32, #tpu.memory_space<vmem>>
    %dma_start3A_10 = arith.constant 0 : i32
    %dma_start3A_11 = tpu.memref_slice %arg2[%dma_start3A_10] : memref<32000000xf32, #tpu.memory_space<hbm>> -> memref<32000000xf32, #tpu.memory_space<hbm>>
    tpu.enqueue_indirect_dma source(%dma_start3A_11 : memref<32000000xf32, #tpu.memory_space<hbm>>) target(%dma_start3A_7 : memref<8192xf32, #tpu.memory_space<vmem>>) offsets(%dma_start3A_9 : memref<8192xi32, #tpu.memory_space<vmem>>) semaphore(%arg17 : memref<!tpu.dma_semaphore, #tpu.memory_space<semaphore_mem>>)
    %dma_start3A_12 = arith.constant 0 : i32
    %dma_start3A_13 = tpu.memref_slice %arg14[%dma_start3A_12] : memref<8192xf32, #tpu.memory_space<vmem>> -> memref<8192xf32, #tpu.memory_space<vmem>>
    %dma_start3A_14 = arith.constant 0 : i32
    %dma_start3A_15 = tpu.memref_slice %arg11[%dma_start3A_14] : memref<8192xi32, #tpu.memory_space<vmem>> -> memref<8192xi32, #tpu.memory_space<vmem>>
    %dma_start3A_16 = arith.constant 0 : i32
    %dma_start3A_17 = tpu.memref_slice %arg2[%dma_start3A_16] : memref<32000000xf32, #tpu.memory_space<hbm>> -> memref<32000000xf32, #tpu.memory_space<hbm>>
    tpu.enqueue_indirect_dma source(%dma_start3A_17 : memref<32000000xf32, #tpu.memory_space<hbm>>) target(%dma_start3A_13 : memref<8192xf32, #tpu.memory_space<vmem>>) offsets(%dma_start3A_15 : memref<8192xi32, #tpu.memory_space<vmem>>) semaphore(%arg17 : memref<!tpu.dma_semaphore, #tpu.memory_space<semaphore_mem>>)
    %dma_start3A_18 = arith.constant 0 : i32
    %dma_start3A_19 = tpu.memref_slice %arg15[%dma_start3A_18] : memref<8192xf32, #tpu.memory_space<vmem>> -> memref<8192xf32, #tpu.memory_space<vmem>>
    %dma_start3A_20 = arith.constant 0 : i32
    %dma_start3A_21 = tpu.memref_slice %arg12[%dma_start3A_20] : memref<8192xi32, #tpu.memory_space<vmem>> -> memref<8192xi32, #tpu.memory_space<vmem>>
    %dma_start3A_22 = arith.constant 0 : i32
    %dma_start3A_23 = tpu.memref_slice %arg2[%dma_start3A_22] : memref<32000000xf32, #tpu.memory_space<hbm>> -> memref<32000000xf32, #tpu.memory_space<hbm>>
    tpu.enqueue_indirect_dma source(%dma_start3A_23 : memref<32000000xf32, #tpu.memory_space<hbm>>) target(%dma_start3A_19 : memref<8192xf32, #tpu.memory_space<vmem>>) offsets(%dma_start3A_21 : memref<8192xi32, #tpu.memory_space<vmem>>) semaphore(%arg17 : memref<!tpu.dma_semaphore, #tpu.memory_space<semaphore_mem>>)
    %iota3A = tpu.iota {dimensions = array<i32: 0>} : vector<16xi32>
    %broadcast_in_dim3A = arith.constant 0.000000e+00 : f32
    %broadcast_in_dim3A_24 = vector.broadcast %broadcast_in_dim3A : f32 to vector<16xf32>
    %dma_wait3A = arith.constant 0 : i32
    %dma_wait3A_25 = tpu.memref_slice %arg13[%dma_wait3A] : memref<8192xf32, #tpu.memory_space<vmem>> -> memref<8192xf32, #tpu.memory_space<vmem>>
    %dma_wait3A_26 = arith.constant 0 : i32
    %dma_wait3A_27 = tpu.memref_slice %arg10[%dma_wait3A_26] : memref<8192xi32, #tpu.memory_space<vmem>> -> memref<8192xi32, #tpu.memory_space<vmem>>
    %dma_wait3A_28 = arith.constant 0 : i32
    %dma_wait3A_29 = tpu.memref_slice %arg2[%dma_wait3A_28] : memref<32000000xf32, #tpu.memory_space<hbm>> -> memref<32000000xf32, #tpu.memory_space<hbm>>
    tpu.wait_indirect_dma semaphore(%arg17 : memref<!tpu.dma_semaphore, #tpu.memory_space<semaphore_mem>>) src(%dma_wait3A_29 : memref<32000000xf32, #tpu.memory_space<hbm>>) dst(%dma_wait3A_25 : memref<8192xf32, #tpu.memory_space<vmem>>)
    %dma_wait3A_30 = arith.constant 0 : i32
    %dma_wait3A_31 = tpu.memref_slice %arg14[%dma_wait3A_30] : memref<8192xf32, #tpu.memory_space<vmem>> -> memref<8192xf32, #tpu.memory_space<vmem>>
    %dma_wait3A_32 = arith.constant 0 : i32
    %dma_wait3A_33 = tpu.memref_slice %arg11[%dma_wait3A_32] : memref<8192xi32, #tpu.memory_space<vmem>> -> memref<8192xi32, #tpu.memory_space<vmem>>
    %dma_wait3A_34 = arith.constant 0 : i32
    %dma_wait3A_35 = tpu.memref_slice %arg2[%dma_wait3A_34] : memref<32000000xf32, #tpu.memory_space<hbm>> -> memref<32000000xf32, #tpu.memory_space<hbm>>
    tpu.wait_indirect_dma semaphore(%arg17 : memref<!tpu.dma_semaphore, #tpu.memory_space<semaphore_mem>>) src(%dma_wait3A_35 : memref<32000000xf32, #tpu.memory_space<hbm>>) dst(%dma_wait3A_31 : memref<8192xf32, #tpu.memory_space<vmem>>)
    %dma_wait3A_36 = arith.constant 0 : i32
    %dma_wait3A_37 = tpu.memref_slice %arg15[%dma_wait3A_36] : memref<8192xf32, #tpu.memory_space<vmem>> -> memref<8192xf32, #tpu.memory_space<vmem>>
    %dma_wait3A_38 = arith.constant 0 : i32
    %dma_wait3A_39 = tpu.memref_slice %arg12[%dma_wait3A_38] : memref<8192xi32, #tpu.memory_space<vmem>> -> memref<8192xi32, #tpu.memory_space<vmem>>
    %dma_wait3A_40 = arith.constant 0 : i32
    %dma_wait3A_41 = tpu.memref_slice %arg2[%dma_wait3A_40] : memref<32000000xf32, #tpu.memory_space<hbm>> -> memref<32000000xf32, #tpu.memory_space<hbm>>
    tpu.wait_indirect_dma semaphore(%arg17 : memref<!tpu.dma_semaphore, #tpu.memory_space<semaphore_mem>>) src(%dma_wait3A_41 : memref<32000000xf32, #tpu.memory_space<hbm>>) dst(%dma_wait3A_37 : memref<8192xf32, #tpu.memory_space<vmem>>)
    %scan3A_42 = arith.constant 0 : i32
    %scan3A_43 = arith.constant 32 : i32
    %scan3A_44 = arith.addi %scan3A_42, %scan3A_43 : i32
    %scan3A_45 = arith.constant 1 : i32
    %scan3A_46:2 = scf.for %scan3A_65 = %scan3A_42 to %scan3A_44 step %scan3A_45 iter_args(%scan3A_66 = %broadcast_in_dim3A_24, %scan3A_67 = %broadcast_in_dim3A_24) -> (vector<16xf32>, vector<16xf32>)  : i32 {
      %mul3A_68 = arith.constant 256 : i32
      %mul3A_69 = arith.muli %scan3A_65, %mul3A_68 : i32
      %add3A_70 = arith.constant 0 : i32
      %add3A_71 = arith.addi %mul3A_69, %add3A_70 : i32
      %get3A = arith.index_cast %add3A_71 : i32 to index
      %get3A_72 = tpu.vector_load %arg13[%get3A] {strides = array<i32>} : memref<8192xf32, #tpu.memory_space<vmem>>, vector<16xf32>,
      %get3A_73 = arith.index_cast %add3A_71 : i32 to index
      %get3A_74 = tpu.vector_load %arg14[%get3A_73] {strides = array<i32>} : memref<8192xf32, #tpu.memory_space<vmem>>, vector<16xf32>,
      %get3A_75 = arith.index_cast %add3A_71 : i32 to index
      %get3A_76 = tpu.vector_load %arg15[%get3A_75] {strides = array<i32>} : memref<8192xf32, #tpu.memory_space<vmem>>, vector<16xf32>,
      %sub3A = arith.subf %get3A_74, %get3A_76 : vector<16xf32>
      %mul3A_77 = arith.mulf %get3A_72, %sub3A : vector<16xf32>
      %add3A_78 = arith.addf %broadcast_in_dim3A_24, %mul3A_77 : vector<16xf32>
      %mul3A_79 = arith.mulf %get3A_72, %get3A_72 : vector<16xf32>
      %mul3A_80 = arith.mulf %get3A_74, %get3A_74 : vector<16xf32>
      %mul3A_81 = arith.mulf %get3A_76, %get3A_76 : vector<16xf32>
      %add3A_82 = arith.addf %mul3A_80, %mul3A_81 : vector<16xf32>
      %add3A_83 = arith.addf %mul3A_79, %add3A_82 : vector<16xf32>
      %add3A_84 = arith.addf %scan3A_67, %add3A_83 : vector<16xf32>
      %mul3A_85 = arith.constant 256 : i32
      %mul3A_86 = arith.muli %scan3A_65, %mul3A_85 : i32
      %add3A_87 = arith.constant 16 : i32
      %add3A_88 = arith.addi %mul3A_86, %add3A_87 : i32
      %get3A_89 = arith.index_cast %add3A_88 : i32 to index
      %get3A_90 = tpu.vector_load %arg13[%get3A_89] {strides = array<i32>} : memref<8192xf32, #tpu.memory_space<vmem>>, vector<16xf32>,
      %get3A_91 = arith.index_cast %add3A_88 : i32 to index
      %get3A_92 = tpu.vector_load %arg14[%get3A_91] {strides = array<i32>} : memref<8192xf32, #tpu.memory_space<vmem>>, vector<16xf32>,
      %get3A_93 = arith.index_cast %add3A_88 : i32 to index
      %get3A_94 = tpu.vector_load %arg15[%get3A_93] {strides = array<i32>} : memref<8192xf32, #tpu.memory_space<vmem>>, vector<16xf32>,
      %sub3A_95 = arith.subf %get3A_92, %get3A_94 : vector<16xf32>
      %mul3A_96 = arith.mulf %get3A_90, %sub3A_95 : vector<16xf32>
      %add3A_97 = arith.addf %add3A_78, %mul3A_96 : vector<16xf32>
      %mul3A_98 = arith.mulf %get3A_90, %get3A_90 : vector<16xf32>
      %mul3A_99 = arith.mulf %get3A_92, %get3A_92 : vector<16xf32>
      %mul3A_100 = arith.mulf %get3A_94, %get3A_94 : vector<16xf32>
      %add3A_101 = arith.addf %mul3A_99, %mul3A_100 : vector<16xf32>
      %add3A_102 = arith.addf %mul3A_98, %add3A_101 : vector<16xf32>
      %add3A_103 = arith.addf %add3A_84, %add3A_102 : vector<16xf32>
      %mul3A_104 = arith.constant 256 : i32
      %mul3A_105 = arith.muli %scan3A_65, %mul3A_104 : i32
      %add3A_106 = arith.constant 32 : i32
      %add3A_107 = arith.addi %mul3A_105, %add3A_106 : i32
      %get3A_108 = arith.index_cast %add3A_107 : i32 to index
      %get3A_109 = tpu.vector_load %arg13[%get3A_108] {strides = array<i32>} : memref<8192xf32, #tpu.memory_space<vmem>>, vector<16xf32>,
      %get3A_110 = arith.index_cast %add3A_107 : i32 to index
      %get3A_111 = tpu.vector_load %arg14[%get3A_110] {strides = array<i32>} : memref<8192xf32, #tpu.memory_space<vmem>>, vector<16xf32>,
      %get3A_112 = arith.index_cast %add3A_107 : i32 to index
      %get3A_113 = tpu.vector_load %arg15[%get3A_112] {strides = array<i32>} : memref<8192xf32, #tpu.memory_space<vmem>>, vector<16xf32>,
      %sub3A_114 = arith.subf %get3A_111, %get3A_113 : vector<16xf32>
      %mul3A_115 = arith.mulf %get3A_109, %sub3A_114 : vector<16xf32>
      %add3A_116 = arith.addf %add3A_97, %mul3A_115 : vector<16xf32>
      %mul3A_117 = arith.mulf %get3A_109, %get3A_109 : vector<16xf32>
      %mul3A_118 = arith.mulf %get3A_111, %get3A_111 : vector<16xf32>
      %mul3A_119 = arith.mulf %get3A_113, %get3A_113 : vector<16xf32>
      %add3A_120 = arith.addf %mul3A_118, %mul3A_119 : vector<16xf32>
      %add3A_121 = arith.addf %mul3A_117, %add3A_120 : vector<16xf32>
      %add3A_122 = arith.addf %add3A_103, %add3A_121 : vector<16xf32>
      %mul3A_123 = arith.constant 256 : i32
      %mul3A_124 = arith.muli %scan3A_65, %mul3A_123 : i32
      %add3A_125 = arith.constant 48 : i32
      %add3A_126 = arith.addi %mul3A_124, %add3A_125 : i32
      %get3A_127 = arith.index_cast %add3A_126 : i32 to index
      %get3A_128 = tpu.vector_load %arg13[%get3A_127] {strides = array<i32>} : memref<8192xf32, #tpu.memory_space<vmem>>, vector<16xf32>,
      %get3A_129 = arith.index_cast %add3A_126 : i32 to index
      %get3A_130 = tpu.vector_load %arg14[%get3A_129] {strides = array<i32>} : memref<8192xf32, #tpu.memory_space<vmem>>, vector<16xf32>,
      %get3A_131 = arith.index_cast %add3A_126 : i32 to index
      %get3A_132 = tpu.vector_load %arg15[%get3A_131] {strides = array<i32>} : memref<8192xf32, #tpu.memory_space<vmem>>, vector<16xf32>,
      %sub3A_133 = arith.subf %get3A_130, %get3A_132 : vector<16xf32>
      %mul3A_134 = arith.mulf %get3A_128, %sub3A_133 : vector<16xf32>
      %add3A_135 = arith.addf %add3A_116, %mul3A_134 : vector<16xf32>
      %mul3A_136 = arith.mulf %get3A_128, %get3A_128 : vector<16xf32>
      %mul3A_137 = arith.mulf %get3A_130, %get3A_130 : vector<16xf32>
      %mul3A_138 = arith.mulf %get3A_132, %get3A_132 : vector<16xf32>
      %add3A_139 = arith.addf %mul3A_137, %mul3A_138 : vector<16xf32>
      %add3A_140 = arith.addf %mul3A_136, %add3A_139 : vector<16xf32>
      %add3A_141 = arith.addf %add3A_122, %add3A_140 : vector<16xf32>
      %mul3A_142 = arith.constant 256 : i32
      %mul3A_143 = arith.muli %scan3A_65, %mul3A_142 : i32
      %add3A_144 = arith.constant 64 : i32
      %add3A_145 = arith.addi %mul3A_143, %add3A_144 : i32
      %get3A_146 = arith.index_cast %add3A_145 : i32 to index
      %get3A_147 = tpu.vector_load %arg13[%get3A_146] {strides = array<i32>} : memref<8192xf32, #tpu.memory_space<vmem>>, vector<16xf32>,
      %get3A_148 = arith.index_cast %add3A_145 : i32 to index
      %get3A_149 = tpu.vector_load %arg14[%get3A_148] {strides = array<i32>} : memref<8192xf32, #tpu.memory_space<vmem>>, vector<16xf32>,
      %get3A_150 = arith.index_cast %add3A_145 : i32 to index
      %get3A_151 = tpu.vector_load %arg15[%get3A_150] {strides = array<i32>} : memref<8192xf32, #tpu.memory_space<vmem>>, vector<16xf32>,
      %sub3A_152 = arith.subf %get3A_149, %get3A_151 : vector<16xf32>
      %mul3A_153 = arith.mulf %get3A_147, %sub3A_152 : vector<16xf32>
      %add3A_154 = arith.addf %add3A_135, %mul3A_153 : vector<16xf32>
      %mul3A_155 = arith.mulf %get3A_147, %get3A_147 : vector<16xf32>
      %mul3A_156 = arith.mulf %get3A_149, %get3A_149 : vector<16xf32>
      %mul3A_157 = arith.mulf %get3A_151, %get3A_151 : vector<16xf32>
      %add3A_158 = arith.addf %mul3A_156, %mul3A_157 : vector<16xf32>
      %add3A_159 = arith.addf %mul3A_155, %add3A_158 : vector<16xf32>
      %add3A_160 = arith.addf %add3A_141, %add3A_159 : vector<16xf32>
      %mul3A_161 = arith.constant 256 : i32
      %mul3A_162 = arith.muli %scan3A_65, %mul3A_161 : i32
      %add3A_163 = arith.constant 80 : i32
      %add3A_164 = arith.addi %mul3A_162, %add3A_163 : i32
      %get3A_165 = arith.index_cast %add3A_164 : i32 to index
      %get3A_166 = tpu.vector_load %arg13[%get3A_165] {strides = array<i32>} : memref<8192xf32, #tpu.memory_space<vmem>>, vector<16xf32>,
      %get3A_167 = arith.index_cast %add3A_164 : i32 to index
      %get3A_168 = tpu.vector_load %arg14[%get3A_167] {strides = array<i32>} : memref<8192xf32, #tpu.memory_space<vmem>>, vector<16xf32>,
      %get3A_169 = arith.index_cast %add3A_164 : i32 to index
      %get3A_170 = tpu.vector_load %arg15[%get3A_169] {strides = array<i32>} : memref<8192xf32, #tpu.memory_space<vmem>>, vector<16xf32>,
      %sub3A_171 = arith.subf %get3A_168, %get3A_170 : vector<16xf32>
      %mul3A_172 = arith.mulf %get3A_166, %sub3A_171 : vector<16xf32>
      %add3A_173 = arith.addf %add3A_154, %mul3A_172 : vector<16xf32>
      %mul3A_174 = arith.mulf %get3A_166, %get3A_166 : vector<16xf32>
      %mul3A_175 = arith.mulf %get3A_168, %get3A_168 : vector<16xf32>
      %mul3A_176 = arith.mulf %get3A_170, %get3A_170 : vector<16xf32>
      %add3A_177 = arith.addf %mul3A_175, %mul3A_176 : vector<16xf32>
      %add3A_178 = arith.addf %mul3A_174, %add3A_177 : vector<16xf32>
      %add3A_179 = arith.addf %add3A_160, %add3A_178 : vector<16xf32>
      %mul3A_180 = arith.constant 256 : i32
      %mul3A_181 = arith.muli %scan3A_65, %mul3A_180 : i32
      %add3A_182 = arith.constant 96 : i32
      %add3A_183 = arith.addi %mul3A_181, %add3A_182 : i32
      %get3A_184 = arith.index_cast %add3A_183 : i32 to index
      %get3A_185 = tpu.vector_load %arg13[%get3A_184] {strides = array<i32>} : memref<8192xf32, #tpu.memory_space<vmem>>, vector<16xf32>,
      %get3A_186 = arith.index_cast %add3A_183 : i32 to index
      %get3A_187 = tpu.vector_load %arg14[%get3A_186] {strides = array<i32>} : memref<8192xf32, #tpu.memory_space<vmem>>, vector<16xf32>,
      %get3A_188 = arith.index_cast %add3A_183 : i32 to index
      %get3A_189 = tpu.vector_load %arg15[%get3A_188] {strides = array<i32>} : memref<8192xf32, #tpu.memory_space<vmem>>, vector<16xf32>,
      %sub3A_190 = arith.subf %get3A_187, %get3A_189 : vector<16xf32>
      %mul3A_191 = arith.mulf %get3A_185, %sub3A_190 : vector<16xf32>
      %add3A_192 = arith.addf %add3A_173, %mul3A_191 : vector<16xf32>
      %mul3A_193 = arith.mulf %get3A_185, %get3A_185 : vector<16xf32>
      %mul3A_194 = arith.mulf %get3A_187, %get3A_187 : vector<16xf32>
      %mul3A_195 = arith.mulf %get3A_189, %get3A_189 : vector<16xf32>
      %add3A_196 = arith.addf %mul3A_194, %mul3A_195 : vector<16xf32>
      %add3A_197 = arith.addf %mul3A_193, %add3A_196 : vector<16xf32>
      %add3A_198 = arith.addf %add3A_179, %add3A_197 : vector<16xf32>
      %mul3A_199 = arith.constant 256 : i32
      %mul3A_200 = arith.muli %scan3A_65, %mul3A_199 : i32
      %add3A_201 = arith.constant 112 : i32
      %add3A_202 = arith.addi %mul3A_200, %add3A_201 : i32
      %get3A_203 = arith.index_cast %add3A_202 : i32 to index
      %get3A_204 = tpu.vector_load %arg13[%get3A_203] {strides = array<i32>} : memref<8192xf32, #tpu.memory_space<vmem>>, vector<16xf32>,
      %get3A_205 = arith.index_cast %add3A_202 : i32 to index
      %get3A_206 = tpu.vector_load %arg14[%get3A_205] {strides = array<i32>} : memref<8192xf32, #tpu.memory_space<vmem>>, vector<16xf32>,
      %get3A_207 = arith.index_cast %add3A_202 : i32 to index
      %get3A_208 = tpu.vector_load %arg15[%get3A_207] {strides = array<i32>} : memref<8192xf32, #tpu.memory_space<vmem>>, vector<16xf32>,
      %sub3A_209 = arith.subf %get3A_206, %get3A_208 : vector<16xf32>
      %mul3A_210 = arith.mulf %get3A_204, %sub3A_209 : vector<16xf32>
      %add3A_211 = arith.addf %add3A_192, %mul3A_210 : vector<16xf32>
      %mul3A_212 = arith.mulf %get3A_204, %get3A_204 : vector<16xf32>
      %mul3A_213 = arith.mulf %get3A_206, %get3A_206 : vector<16xf32>
      %mul3A_214 = arith.mulf %get3A_208, %get3A_208 : vector<16xf32>
      %add3A_215 = arith.addf %mul3A_213, %mul3A_214 : vector<16xf32>
      %add3A_216 = arith.addf %mul3A_212, %add3A_215 : vector<16xf32>
      %add3A_217 = arith.addf %add3A_198, %add3A_216 : vector<16xf32>
      %mul3A_218 = arith.constant 256 : i32
      %mul3A_219 = arith.muli %scan3A_65, %mul3A_218 : i32
      %add3A_220 = arith.constant 128 : i32
      %add3A_221 = arith.addi %mul3A_219, %add3A_220 : i32
      %get3A_222 = arith.index_cast %add3A_221 : i32 to index
      %get3A_223 = tpu.vector_load %arg13[%get3A_222] {strides = array<i32>} : memref<8192xf32, #tpu.memory_space<vmem>>, vector<16xf32>,
      %get3A_224 = arith.index_cast %add3A_221 : i32 to index
      %get3A_225 = tpu.vector_load %arg14[%get3A_224] {strides = array<i32>} : memref<8192xf32, #tpu.memory_space<vmem>>, vector<16xf32>,
      %get3A_226 = arith.index_cast %add3A_221 : i32 to index
      %get3A_227 = tpu.vector_load %arg15[%get3A_226] {strides = array<i32>} : memref<8192xf32, #tpu.memory_space<vmem>>, vector<16xf32>,
      %sub3A_228 = arith.subf %get3A_225, %get3A_227 : vector<16xf32>
      %mul3A_229 = arith.mulf %get3A_223, %sub3A_228 : vector<16xf32>
      %add3A_230 = arith.addf %add3A_211, %mul3A_229 : vector<16xf32>
      %mul3A_231 = arith.mulf %get3A_223, %get3A_223 : vector<16xf32>
      %mul3A_232 = arith.mulf %get3A_225, %get3A_225 : vector<16xf32>
      %mul3A_233 = arith.mulf %get3A_227, %get3A_227 : vector<16xf32>
      %add3A_234 = arith.addf %mul3A_232, %mul3A_233 : vector<16xf32>
      %add3A_235 = arith.addf %mul3A_231, %add3A_234 : vector<16xf32>
      %add3A_236 = arith.addf %add3A_217, %add3A_235 : vector<16xf32>
      %mul3A_237 = arith.constant 256 : i32
      %mul3A_238 = arith.muli %scan3A_65, %mul3A_237 : i32
      %add3A_239 = arith.constant 144 : i32
      %add3A_240 = arith.addi %mul3A_238, %add3A_239 : i32
      %get3A_241 = arith.index_cast %add3A_240 : i32 to index
      %get3A_242 = tpu.vector_load %arg13[%get3A_241] {strides = array<i32>} : memref<8192xf32, #tpu.memory_space<vmem>>, vector<16xf32>,
      %get3A_243 = arith.index_cast %add3A_240 : i32 to index
      %get3A_244 = tpu.vector_load %arg14[%get3A_243] {strides = array<i32>} : memref<8192xf32, #tpu.memory_space<vmem>>, vector<16xf32>,
      %get3A_245 = arith.index_cast %add3A_240 : i32 to index
      %get3A_246 = tpu.vector_load %arg15[%get3A_245] {strides = array<i32>} : memref<8192xf32, #tpu.memory_space<vmem>>, vector<16xf32>,
      %sub3A_247 = arith.subf %get3A_244, %get3A_246 : vector<16xf32>
      %mul3A_248 = arith.mulf %get3A_242, %sub3A_247 : vector<16xf32>
      %add3A_249 = arith.addf %add3A_230, %mul3A_248 : vector<16xf32>
      %mul3A_250 = arith.mulf %get3A_242, %get3A_242 : vector<16xf32>
      %mul3A_251 = arith.mulf %get3A_244, %get3A_244 : vector<16xf32>
      %mul3A_252 = arith.mulf %get3A_246, %get3A_246 : vector<16xf32>
      %add3A_253 = arith.addf %mul3A_251, %mul3A_252 : vector<16xf32>
      %add3A_254 = arith.addf %mul3A_250, %add3A_253 : vector<16xf32>
      %add3A_255 = arith.addf %add3A_236, %add3A_254 : vector<16xf32>
      %mul3A_256 = arith.constant 256 : i32
      %mul3A_257 = arith.muli %scan3A_65, %mul3A_256 : i32
      %add3A_258 = arith.constant 160 : i32
      %add3A_259 = arith.addi %mul3A_257, %add3A_258 : i32
      %get3A_260 = arith.index_cast %add3A_259 : i32 to index
      %get3A_261 = tpu.vector_load %arg13[%get3A_260] {strides = array<i32>} : memref<8192xf32, #tpu.memory_space<vmem>>, vector<16xf32>,
      %get3A_262 = arith.index_cast %add3A_259 : i32 to index
      %get3A_263 = tpu.vector_load %arg14[%get3A_262] {strides = array<i32>} : memref<8192xf32, #tpu.memory_space<vmem>>, vector<16xf32>,
      %get3A_264 = arith.index_cast %add3A_259 : i32 to index
      %get3A_265 = tpu.vector_load %arg15[%get3A_264] {strides = array<i32>} : memref<8192xf32, #tpu.memory_space<vmem>>, vector<16xf32>,
      %sub3A_266 = arith.subf %get3A_263, %get3A_265 : vector<16xf32>
      %mul3A_267 = arith.mulf %get3A_261, %sub3A_266 : vector<16xf32>
      %add3A_268 = arith.addf %add3A_249, %mul3A_267 : vector<16xf32>
      %mul3A_269 = arith.mulf %get3A_261, %get3A_261 : vector<16xf32>
      %mul3A_270 = arith.mulf %get3A_263, %get3A_263 : vector<16xf32>
      %mul3A_271 = arith.mulf %get3A_265, %get3A_265 : vector<16xf32>
      %add3A_272 = arith.addf %mul3A_270, %mul3A_271 : vector<16xf32>
      %add3A_273 = arith.addf %mul3A_269, %add3A_272 : vector<16xf32>
      %add3A_274 = arith.addf %add3A_255, %add3A_273 : vector<16xf32>
      %mul3A_275 = arith.constant 256 : i32
      %mul3A_276 = arith.muli %scan3A_65, %mul3A_275 : i32
      %add3A_277 = arith.constant 176 : i32
      %add3A_278 = arith.addi %mul3A_276, %add3A_277 : i32
      %get3A_279 = arith.index_cast %add3A_278 : i32 to index
      %get3A_280 = tpu.vector_load %arg13[%get3A_279] {strides = array<i32>} : memref<8192xf32, #tpu.memory_space<vmem>>, vector<16xf32>,
      %get3A_281 = arith.index_cast %add3A_278 : i32 to index
      %get3A_282 = tpu.vector_load %arg14[%get3A_281] {strides = array<i32>} : memref<8192xf32, #tpu.memory_space<vmem>>, vector<16xf32>,
      %get3A_283 = arith.index_cast %add3A_278 : i32 to index
      %get3A_284 = tpu.vector_load %arg15[%get3A_283] {strides = array<i32>} : memref<8192xf32, #tpu.memory_space<vmem>>, vector<16xf32>,
      %sub3A_285 = arith.subf %get3A_282, %get3A_284 : vector<16xf32>
      %mul3A_286 = arith.mulf %get3A_280, %sub3A_285 : vector<16xf32>
      %add3A_287 = arith.addf %add3A_268, %mul3A_286 : vector<16xf32>
      %mul3A_288 = arith.mulf %get3A_280, %get3A_280 : vector<16xf32>
      %mul3A_289 = arith.mulf %get3A_282, %get3A_282 : vector<16xf32>
      %mul3A_290 = arith.mulf %get3A_284, %get3A_284 : vector<16xf32>
      %add3A_291 = arith.addf %mul3A_289, %mul3A_290 : vector<16xf32>
      %add3A_292 = arith.addf %mul3A_288, %add3A_291 : vector<16xf32>
      %add3A_293 = arith.addf %add3A_274, %add3A_292 : vector<16xf32>
      %mul3A_294 = arith.constant 256 : i32
      %mul3A_295 = arith.muli %scan3A_65, %mul3A_294 : i32
      %add3A_296 = arith.constant 192 : i32
      %add3A_297 = arith.addi %mul3A_295, %add3A_296 : i32
      %get3A_298 = arith.index_cast %add3A_297 : i32 to index
      %get3A_299 = tpu.vector_load %arg13[%get3A_298] {strides = array<i32>} : memref<8192xf32, #tpu.memory_space<vmem>>, vector<16xf32>,
      %get3A_300 = arith.index_cast %add3A_297 : i32 to index
      %get3A_301 = tpu.vector_load %arg14[%get3A_300] {strides = array<i32>} : memref<8192xf32, #tpu.memory_space<vmem>>, vector<16xf32>,
      %get3A_302 = arith.index_cast %add3A_297 : i32 to index
      %get3A_303 = tpu.vector_load %arg15[%get3A_302] {strides = array<i32>} : memref<8192xf32, #tpu.memory_space<vmem>>, vector<16xf32>,
      %sub3A_304 = arith.subf %get3A_301, %get3A_303 : vector<16xf32>
      %mul3A_305 = arith.mulf %get3A_299, %sub3A_304 : vector<16xf32>
      %add3A_306 = arith.addf %add3A_287, %mul3A_305 : vector<16xf32>
      %mul3A_307 = arith.mulf %get3A_299, %get3A_299 : vector<16xf32>
      %mul3A_308 = arith.mulf %get3A_301, %get3A_301 : vector<16xf32>
      %mul3A_309 = arith.mulf %get3A_303, %get3A_303 : vector<16xf32>
      %add3A_310 = arith.addf %mul3A_308, %mul3A_309 : vector<16xf32>
      %add3A_311 = arith.addf %mul3A_307, %add3A_310 : vector<16xf32>
      %add3A_312 = arith.addf %add3A_293, %add3A_311 : vector<16xf32>
      %mul3A_313 = arith.constant 256 : i32
      %mul3A_314 = arith.muli %scan3A_65, %mul3A_313 : i32
      %add3A_315 = arith.constant 208 : i32
      %add3A_316 = arith.addi %mul3A_314, %add3A_315 : i32
      %get3A_317 = arith.index_cast %add3A_316 : i32 to index
      %get3A_318 = tpu.vector_load %arg13[%get3A_317] {strides = array<i32>} : memref<8192xf32, #tpu.memory_space<vmem>>, vector<16xf32>,
      %get3A_319 = arith.index_cast %add3A_316 : i32 to index
      %get3A_320 = tpu.vector_load %arg14[%get3A_319] {strides = array<i32>} : memref<8192xf32, #tpu.memory_space<vmem>>, vector<16xf32>,
      %get3A_321 = arith.index_cast %add3A_316 : i32 to index
      %get3A_322 = tpu.vector_load %arg15[%get3A_321] {strides = array<i32>} : memref<8192xf32, #tpu.memory_space<vmem>>, vector<16xf32>,
      %sub3A_323 = arith.subf %get3A_320, %get3A_322 : vector<16xf32>
      %mul3A_324 = arith.mulf %get3A_318, %sub3A_323 : vector<16xf32>
      %add3A_325 = arith.addf %add3A_306, %mul3A_324 : vector<16xf32>
      %mul3A_326 = arith.mulf %get3A_318, %get3A_318 : vector<16xf32>
      %mul3A_327 = arith.mulf %get3A_320, %get3A_320 : vector<16xf32>
      %mul3A_328 = arith.mulf %get3A_322, %get3A_322 : vector<16xf32>
      %add3A_329 = arith.addf %mul3A_327, %mul3A_328 : vector<16xf32>
      %add3A_330 = arith.addf %mul3A_326, %add3A_329 : vector<16xf32>
      %add3A_331 = arith.addf %add3A_312, %add3A_330 : vector<16xf32>
      %mul3A_332 = arith.constant 256 : i32
      %mul3A_333 = arith.muli %scan3A_65, %mul3A_332 : i32
      %add3A_334 = arith.constant 224 : i32
      %add3A_335 = arith.addi %mul3A_333, %add3A_334 : i32
      %get3A_336 = arith.index_cast %add3A_335 : i32 to index
      %get3A_337 = tpu.vector_load %arg13[%get3A_336] {strides = array<i32>} : memref<8192xf32, #tpu.memory_space<vmem>>, vector<16xf32>,
      %get3A_338 = arith.index_cast %add3A_335 : i32 to index
      %get3A_339 = tpu.vector_load %arg14[%get3A_338] {strides = array<i32>} : memref<8192xf32, #tpu.memory_space<vmem>>, vector<16xf32>,
      %get3A_340 = arith.index_cast %add3A_335 : i32 to index
      %get3A_341 = tpu.vector_load %arg15[%get3A_340] {strides = array<i32>} : memref<8192xf32, #tpu.memory_space<vmem>>, vector<16xf32>,
      %sub3A_342 = arith.subf %get3A_339, %get3A_341 : vector<16xf32>
      %mul3A_343 = arith.mulf %get3A_337, %sub3A_342 : vector<16xf32>
      %add3A_344 = arith.addf %add3A_325, %mul3A_343 : vector<16xf32>
      %mul3A_345 = arith.mulf %get3A_337, %get3A_337 : vector<16xf32>
      %mul3A_346 = arith.mulf %get3A_339, %get3A_339 : vector<16xf32>
      %mul3A_347 = arith.mulf %get3A_341, %get3A_341 : vector<16xf32>
      %add3A_348 = arith.addf %mul3A_346, %mul3A_347 : vector<16xf32>
      %add3A_349 = arith.addf %mul3A_345, %add3A_348 : vector<16xf32>
      %add3A_350 = arith.addf %add3A_331, %add3A_349 : vector<16xf32>
      %mul3A_351 = arith.constant 256 : i32
      %mul3A_352 = arith.muli %scan3A_65, %mul3A_351 : i32
      %add3A_353 = arith.constant 240 : i32
      %add3A_354 = arith.addi %mul3A_352, %add3A_353 : i32
      %get3A_355 = arith.index_cast %add3A_354 : i32 to index
      %get3A_356 = tpu.vector_load %arg13[%get3A_355] {strides = array<i32>} : memref<8192xf32, #tpu.memory_space<vmem>>, vector<16xf32>,
      %get3A_357 = arith.index_cast %add3A_354 : i32 to index
      %get3A_358 = tpu.vector_load %arg14[%get3A_357] {strides = array<i32>} : memref<8192xf32, #tpu.memory_space<vmem>>, vector<16xf32>,
      %get3A_359 = arith.index_cast %add3A_354 : i32 to index
      %get3A_360 = tpu.vector_load %arg15[%get3A_359] {strides = array<i32>} : memref<8192xf32, #tpu.memory_space<vmem>>, vector<16xf32>,
      %sub3A_361 = arith.subf %get3A_358, %get3A_360 : vector<16xf32>
      %mul3A_362 = arith.mulf %get3A_356, %sub3A_361 : vector<16xf32>
      %add3A_363 = arith.addf %add3A_344, %mul3A_362 : vector<16xf32>
      %mul3A_364 = arith.mulf %get3A_356, %get3A_356 : vector<16xf32>
      %mul3A_365 = arith.mulf %get3A_358, %get3A_358 : vector<16xf32>
      %mul3A_366 = arith.mulf %get3A_360, %get3A_360 : vector<16xf32>
      %add3A_367 = arith.addf %mul3A_365, %mul3A_366 : vector<16xf32>
      %add3A_368 = arith.addf %mul3A_364, %add3A_367 : vector<16xf32>
      %add3A_369 = arith.addf %add3A_350, %add3A_368 : vector<16xf32>
      %neg3A = arith.constant 0.000000e+00 : f32
      %neg3A_370 = vector.broadcast %neg3A : f32 to vector<16xf32>
      %neg3A_371 = arith.subf %neg3A_370, %add3A_363 : vector<16xf32>
      %abs3A = math.absf %neg3A_371 : vector<16xf32>
      %neg3A_372 = arith.constant 0.000000e+00 : f32
      %neg3A_373 = vector.broadcast %neg3A_372 : f32 to vector<16xf32>
      %neg3A_374 = arith.subf %neg3A_373, %abs3A : vector<16xf32>
      %exp3A = math.exp %neg3A_374 : vector<16xf32>
      %add3A_375 = arith.constant 1.000000e+00 : f32
      %add3A_376 = vector.broadcast %add3A_375 : f32 to vector<16xf32>
      %add3A_377 = arith.addf %add3A_376, %exp3A : vector<16xf32>
      %mul3A_378 = arith.constant 0.699999988 : f32
      %mul3A_379 = vector.broadcast %mul3A_378 : f32 to vector<16xf32>
      %mul3A_380 = arith.mulf %mul3A_379, %exp3A : vector<16xf32>
      %sub3A_381 = arith.constant 1.000000e+00 : f32
      %sub3A_382 = vector.broadcast %sub3A_381 : f32 to vector<16xf32>
      %sub3A_383 = arith.subf %mul3A_380, %sub3A_382 : vector<16xf32>
      %neg3A_384 = arith.constant 0.000000e+00 : f32
      %neg3A_385 = vector.broadcast %neg3A_384 : f32 to vector<16xf32>
      %neg3A_386 = arith.subf %neg3A_385, %mul3A_380 : vector<16xf32>
      %exp3A_387 = math.exp %neg3A_386 : vector<16xf32>
      %mul3A_388 = arith.mulf %add3A_377, %exp3A_387 : vector<16xf32>
      %add3A_389 = arith.addf %sub3A_383, %mul3A_388 : vector<16xf32>
      %sub3A_390 = arith.constant 1.000000e+00 : f32
      %sub3A_391 = vector.broadcast %sub3A_390 : f32 to vector<16xf32>
      %sub3A_392 = arith.subf %add3A_389, %sub3A_391 : vector<16xf32>
      %neg3A_393 = arith.constant 0.000000e+00 : f32
      %neg3A_394 = vector.broadcast %neg3A_393 : f32 to vector<16xf32>
      %neg3A_395 = arith.subf %neg3A_394, %add3A_389 : vector<16xf32>
      %exp3A_396 = math.exp %neg3A_395 : vector<16xf32>
      %mul3A_397 = arith.mulf %add3A_377, %exp3A_396 : vector<16xf32>
      %add3A_398 = arith.addf %sub3A_392, %mul3A_397 : vector<16xf32>
      %sub3A_399 = arith.constant 1.000000e+00 : f32
      %sub3A_400 = vector.broadcast %sub3A_399 : f32 to vector<16xf32>
      %sub3A_401 = arith.subf %add3A_398, %sub3A_400 : vector<16xf32>
      %neg3A_402 = arith.constant 0.000000e+00 : f32
      %neg3A_403 = vector.broadcast %neg3A_402 : f32 to vector<16xf32>
      %neg3A_404 = arith.subf %neg3A_403, %add3A_398 : vector<16xf32>
      %exp3A_405 = math.exp %neg3A_404 : vector<16xf32>
      %mul3A_406 = arith.mulf %add3A_377, %exp3A_405 : vector<16xf32>
      %add3A_407 = arith.addf %sub3A_401, %mul3A_406 : vector<16xf32>
      %max3A = arith.constant 0.000000e+00 : f32
      %max3A_408 = vector.broadcast %max3A : f32 to vector<16xf32>
      %max3A_409 = arith.maximumf %neg3A_371, %max3A_408 : vector<16xf32>
      %add3A_410 = arith.addf %max3A_409, %add3A_407 : vector<16xf32>
      %add3A_411 = arith.addf %scan3A_66, %add3A_410 : vector<16xf32>
      scf.yield %add3A_411, %add3A_369 : vector<16xf32>, vector<16xf32>
    }
    %scan3A_47 = arith.constant 32 : i32
    %reduce_sum3A = arith.constant true
    %reduce_sum3A_48 = vector.broadcast %reduce_sum3A : i1 to vector<16xi1>
    %reduce_sum3A_49 = tpu.scan <sum>, %scan3A_46#0 masked %reduce_sum3A_48 : vector<16xf32>, vector<16xi1> -> vector<16xf32>
    %reduce_sum3A_50 = vector.extract %reduce_sum3A_49[15] : f32 from vector<16xf32>
    %reduce_sum3A_51 = arith.constant true
    %reduce_sum3A_52 = vector.broadcast %reduce_sum3A_51 : i1 to vector<16xi1>
    %reduce_sum3A_53 = tpu.scan <sum>, %scan3A_46#1 masked %reduce_sum3A_52 : vector<16xf32>, vector<16xi1> -> vector<16xf32>
    %reduce_sum3A_54 = vector.extract %reduce_sum3A_53[15] : f32 from vector<16xf32>
    %eq3A = arith.constant 0 : i32
    %eq3A_55 = vector.broadcast %eq3A : i32 to vector<16xi32>
    %eq3A_56 = arith.cmpi eq, %iota3A, %eq3A_55 : vector<16xi32>
    %eq3A_57 = arith.constant 1 : i32
    %eq3A_58 = vector.broadcast %eq3A_57 : i32 to vector<16xi32>
    %eq3A_59 = arith.cmpi eq, %iota3A, %eq3A_58 : vector<16xi32>
    %jit3A = arith.constant 0.000000e+00 : f32
    %broadcast_in_dim3A_60 = vector.broadcast %reduce_sum3A_54 : f32 to vector<16xf32>
    %broadcast_in_dim3A_61 = vector.broadcast %jit3A : f32 to vector<16xf32>
    %select_n3A = arith.select %eq3A_59, %broadcast_in_dim3A_60, %broadcast_in_dim3A_61 : vector<16xi1>, vector<16xf32>
    %broadcast_in_dim3A_62 = vector.broadcast %reduce_sum3A_50 : f32 to vector<16xf32>
    %select_n3A_63 = arith.select %eq3A_56, %broadcast_in_dim3A_62, %select_n3A : vector<16xi1>, vector<16xf32>
    %swap3A = arith.constant 0 : index
    %swap3A_64 = tpu.vector_load %arg16[%swap3A] {strides = array<i32>} : memref<16xf32, #tpu.memory_space<vmem>>, vector<16xf32>,
    tpu.vector_store %arg16[%swap3A], %select_n3A_63 {strides = array<i32>} : memref<16xf32, #tpu.memory_space<vmem>>, vector<16xf32>,
    "tpu.region"() ({
      %run_scoped3A = tpu.sem_alloc : memref<!tpu.dma_semaphore, #tpu.memory_space<semaphore_mem>>
      %dma_start3A_65 = arith.constant 0 : i32
      %dma_start3A_66 = tpu.memref_slice %arg6[%add3A, %dma_start3A_65] : memref<32x16xf32, #tpu.memory_space<hbm>> -> memref<1x16xf32, #tpu.memory_space<hbm>>
      %dma_start3A_67 = tpu.memref_squeeze %dma_start3A_66 : memref<1x16xf32, #tpu.memory_space<hbm>> -> memref<16xf32, #tpu.memory_space<hbm>>
      %dma_start3A_68 = arith.constant 0 : i32
      %dma_start3A_69 = tpu.memref_slice %arg6[%add3A, %dma_start3A_68] : memref<32x16xf32, #tpu.memory_space<hbm>> -> memref<1x16xf32, #tpu.memory_space<hbm>>
      %dma_start3A_70 = tpu.memref_squeeze %dma_start3A_69 : memref<1x16xf32, #tpu.memory_space<hbm>> -> memref<16xf32, #tpu.memory_space<hbm>>
      tpu.enqueue_dma source(%arg16 : memref<16xf32, #tpu.memory_space<vmem>>) target(%dma_start3A_70 : memref<16xf32, #tpu.memory_space<hbm>>) target_semaphore(%run_scoped3A : memref<!tpu.dma_semaphore, #tpu.memory_space<semaphore_mem>>)
      %dma_wait3A_71 = arith.constant 0 : i32
      %dma_wait3A_72 = tpu.memref_slice %arg6[%add3A, %dma_wait3A_71] : memref<32x16xf32, #tpu.memory_space<hbm>> -> memref<1x16xf32, #tpu.memory_space<hbm>>
      %dma_wait3A_73 = tpu.memref_squeeze %dma_wait3A_72 : memref<1x16xf32, #tpu.memory_space<hbm>> -> memref<16xf32, #tpu.memory_space<hbm>>
      %dma_wait3A_74 = arith.constant 0 : i32
      %dma_wait3A_75 = tpu.memref_slice %arg6[%add3A, %dma_wait3A_74] : memref<32x16xf32, #tpu.memory_space<hbm>> -> memref<1x16xf32, #tpu.memory_space<hbm>>
      %dma_wait3A_76 = tpu.memref_squeeze %dma_wait3A_75 : memref<1x16xf32, #tpu.memory_space<hbm>> -> memref<16xf32, #tpu.memory_space<hbm>>
      tpu.wait_dma2 semaphore(%run_scoped3A : memref<!tpu.dma_semaphore, #tpu.memory_space<semaphore_mem>>) src(%arg16 : memref<16xf32, #tpu.memory_space<vmem>>) dst(%dma_wait3A_76 : memref<16xf32, #tpu.memory_space<hbm>>)
      tpu.yield
    }) : () -> ()
    return
  }
}

</mosaic_0001>

<sc_bundles>
// kernel: kernel.3.cloned.1.call-start
scs
__scs_entry_jumppad:
0x0: {  	(pc) =	sbr.rel $0x88, $3  }
0x1: {  	(tag) =	ssettag $0x0;
	lr =	simm.s32 $0x1  }
0x2: {  	[smem:$0x3F9D] =	sst lr;
	_ =	strace $0xD0000000  }
0x3: {  	_ = 	snop  }
0x4: {  	_ = 	snop  }
0x5: {  	_ = 	snop  }
0x6: {  	_ = 	snop  }
0x7: {  	_ = 	snop  }
__scs_overlays_trampoline_lowered:
0x8: {  	[smem:$0x3FAC] =	sst s0  }
0x9: {  	[smem:$0x3FAD] =	sst s1  }
0xa: {  	[smem:$0x3FAE] =	sst s2  }
0xb: {  	[smem:$0x3FAF] =	sst s3  }
0xc: {  	[smem:$0x3FB0] =	sst s4  }
0xd: {  	[smem:$0x3FB1] =	sst s5  }
0xe: {  	[smem:$0x3FB2] =	sst s6  }
0xf: {  	[smem:$0x3FB3] =	sst s7  }
0x10: {  	[smem:$0x3FB4] =	sst s8  }
0x11: {  	[smem:$0x3FB5] =	sst s9;
	s0 =	simm.s32 @!p0 $0x0  }
0x12: {  	s1 =	sld [smem:$0x3F9B];
	s0 =	simm.s32 @p0 $0x1  }
0x13: {  	[smem:$0x3FB6] =	sst s0;
	s0 =	simm.s32 @!p1 $0x0  }
0x14: {  	s2 =	sld [smem:$0x3F9A];
	s0 =	simm.s32 @p1 $0x1  }
0x15: {  	[smem:$0x3FB7] =	sst s0;
	s0 =	simm.s32 @!p2 $0x0  }
0x16: {  	s3 =	sld [smem:$0x3FDB];
	s0 =	simm.s32 @p2 $0x1  }
0x17: {  	s4 =	simm.s32 $0x1BF5;
	[smem:$0x3FB9] =	sst s0  }
0x18: {  	s0 =	sld [smem:$0x3F9C];
	_ =	swait.ge [sflag:s4], $0x0  }
0x19: {  	s7 =	sld [smem:$0x3F9D]  }
0x1a: {  	s8 =	sadd.s32 $0xFFFFE003, lr  }
0x1b: {  	s9 =	sadd.s32 $0xFFFFFEF7, lr;
	s5 =	simm.s32 $0xFFFFFFFF;
	p2 =	slt.u32 s8, $0xFFFFF086  }
0x1c: {  	p1 =	slt.u32 s9, $0xF7A;
	s5 =	simm.s32 @!p2 $0x0  }
0x1d: {  	s5 =	simm.s32 @p1 $0x1;
	p0 =	seq.s32 s7, s2  }
0x1e: {  	s7 =	smul.u32 @!p0 $0xF7A, s2;
	p2 =	seq.s32 @!p0 s5, $0x0  }
0x1f: {  	s9 =	smul.u32 $0xF7A, s1;
	s8 =	simm.s32 @!p0 $0x1BF5;
	p2 =	por !p2, p0  }
0x20: {  	[sflag:s8] =	ssyncset.s32 @!p0 $0xFFFFF086;
	s6 =	sadd.s32 @!p0 s3, s7;
	s7 =	simm.s32 @!p0 $0x108  }
0x21: {  	s3 =	sadd.s32 s3, s9;
	s6 =	sadd.s32 @!p0 $0x88, s6;
	s7 =	simm.s32 @p2 $0x1082  }
0x22: {  	[simem:s7], [sflag:s8] =	dma.local @!p0 [hbm:s6], $0xF7A  }
0x23: {  	s9 =	sor.u32 $0xD0000000, s2;
	s6 =	simm.s32 $0x108;
	_ =	swait.ge @!p0 [sflag:s8], $0x0  }
0x24: {  	s3 =	sadd.s32 $0x88, s3;
	s6 =	simm.s32 @!p1 $0x1082;
	[sflag:s4] =	ssyncset.s32 $0xFFFFF086  }
0x25: {  	[simem:s6], [sflag:s4] =	dma.local [hbm:s3], $0xF7A  }
0x26: {  	[smem:$0x3F9D] =	sst s1;
	(tag) =	ssettag s2;
	_ =	strace s9  }
0x27: {  	s1 =	sld [smem:$0x3FAD]  }
0x28: {  	s2 =	sld [smem:$0x3FAE]  }
0x29: {  	s4 =	sld [smem:$0x3FB0]  }
0x2a: {  	p0 =	seq.s32 s5, $0x0;
	s5 =	sld [smem:$0x3FB1]  }
0x2b: {  	s6 =	sld [smem:$0x3FB2]  }
0x2c: {  	s7 =	sld [smem:$0x3FB3]  }
0x2d: {  	s3 =	simm.s32 $0x108;
	s8 =	sld [smem:$0x3FB4]  }
0x2e: {  	s3 =	simm.s32 @!p0 $0x1082;
	s9 =	sld [smem:$0x3FB5]  }
0x2f: {  	lr =	sadd.s32 s0, s3;
	s0 =	sld [smem:$0x3FAC]  }
0x30: {  	s3 =	sld [smem:$0x3FAF]  }
0x31: {  	[smem:$0x3FB8] =	sst s10  }
0x32: {  	s10 =	sld [smem:$0x3FB6];
	_ =	sdelay $0x3  }
0x33: {  	p0 =	seq.s32 s10, $0x1;
	s10 =	sld [smem:$0x3FB8];
	_ =	sdelay $0x3  }
0x34: {  	[smem:$0x3FB8] =	sst s10  }
0x35: {  	s10 =	sld [smem:$0x3FB7];
	_ =	sdelay $0x3  }
0x36: {  	p1 =	seq.s32 s10, $0x1;
	s10 =	sld [smem:$0x3FB8];
	_ =	sdelay $0x3  }
0x37: {  	[smem:$0x3FB8] =	sst s10  }
0x38: {  	s10 =	sld [smem:$0x3FB9]  }
0x39: {  	_ = 	snop;
	(pc) =	sbr.ind lr, $3  }
0x3a: {  	_ = 	snop  }
0x3b: {  	_ = 	snop  }
0x3c: {  	p2 =	seq.s32 s10, $0x1;
	s10 =	sld [smem:$0x3FB8]  }
0x3d: {  	_ =	shalt  }
0x3e: {  	_ =	shalt  }
0x3f: {  	_ =	shalt  }
0x40: {  	_ =	shalt  }
0x41: {  	_ =	shalt  }
0x42: {  	_ =	shalt  }
0x43: {  	_ =	shalt  }
0x44: {  	_ =	shalt  }
0x45: {  	_ =	shalt  }
0x46: {  	_ =	shalt  }
0x47: {  	_ =	shalt  }
0x48: {  	_ =	shalt  }
0x49: {  	_ =	shalt  }
0x4a: {  	_ =	shalt  }
0x4b: {  	_ =	shalt  }
0x4c: {  	_ =	shalt  }
0x4d: {  	_ =	shalt  }
0x4e: {  	_ =	shalt  }
0x4f: {  	_ =	shalt  }
0x50: {  	_ =	shalt  }
0x51: {  	_ =	shalt  }
0x52: {  	_ =	shalt  }
0x53: {  	_ =	shalt  }
0x54: {  	_ =	shalt  }
0x55: {  	_ =	shalt  }
0x56: {  	_ =	shalt  }
0x57: {  	_ =	shalt  }
0x58: {  	_ =	shalt  }
0x59: {  	_ =	shalt  }
0x5a: {  	_ =	shalt  }
0x5b: {  	_ =	shalt  }
0x5c: {  	_ =	shalt  }
0x5d: {  	_ =	shalt  }
0x5e: {  	_ =	shalt  }
0x5f: {  	_ =	shalt  }
0x60: {  	_ =	shalt  }
0x61: {  	_ =	shalt  }
0x62: {  	_ =	shalt  }
0x63: {  	_ =	shalt  }
0x64: {  	_ =	shalt  }
0x65: {  	_ =	shalt  }
0x66: {  	_ =	shalt  }
0x67: {  	_ =	shalt  }
0x68: {  	_ =	shalt  }
0x69: {  	_ =	shalt  }
0x6a: {  	_ =	shalt  }
0x6b: {  	_ =	shalt  }
0x6c: {  	_ =	shalt  }
0x6d: {  	_ =	shalt  }
0x6e: {  	_ =	shalt  }
0x6f: {  	_ =	shalt  }
0x70: {  	_ =	shalt  }
0x71: {  	_ =	shalt  }
0x72: {  	_ =	shalt  }
0x73: {  	_ =	shalt  }
0x74: {  	_ =	shalt  }
0x75: {  	_ =	shalt  }
0x76: {  	_ =	shalt  }
0x77: {  	_ =	shalt  }
0x78: {  	_ =	shalt  }
0x79: {  	_ =	shalt  }
0x7a: {  	_ =	shalt  }
0x7b: {  	_ =	shalt  }
0x7c: {  	_ =	shalt  }
0x7d: {  	_ =	shalt  }
0x7e: {  	_ =	shalt  }
0x7f: {  	_ =	shalt  }
0x80: {  	_ =	shalt  }
0x81: {  	_ =	shalt  }
0x82: {  	_ =	shalt  }
0x83: {  	_ =	shalt  }
0x84: {  	_ =	shalt  }
0x85: {  	_ =	shalt  }
0x86: {  	_ =	shalt  }
0x87: {  	_ =	shalt  }
.Lfunc_end0:
.L_simem_size_0:
called_computation_lowered:
.L_overlay_start_0:
0x88: {  	s2 =	sld [smem:$0x3FD9]  }
0x89: {  	s3 =	sld [smem:$0x3FFE];
	_ =	sdelay $0x1  }
0x8a: {  	s1 =	srdreg.scid  }
0x8b: {  	s0 =	sand.u32 $0x1, s1  }
0x8c: {  	s17 =	sshll.u32 s0, $0xA;
	s2 =	sadd.s32 s3, s2  }
0x8d: {  	s2 =	sadd.s32 s2, s17  }
0x8e: {  	[smem:$0x3FC4] =	sst s2  }
0x8f: {  	_ = 	snop  }
0x90: {  	s2 =	sld [smem:$0x3FC9]  }
0x91: {  	s18 =	sld [smem:$0x3FC8]  }
0x92: {  	s4 =	sld [smem:$0x3FC7]  }
0x93: {  	s5 =	sld [smem:$0x3FC6];
	(tm) =	ssettm $0x1  }
0x94: {  	s6 =	sld [smem:$0x3FFB];
	_ =	sdelay $0x3  }
0x95: {  	_ =	strace s6  }
0x96: {  	s6 =	sld [smem:$0x3FFC];
	_ =	sdelay $0x3  }
0x97: {  	_ =	strace s6  }
0x98: {  	s6 =	sld [smem:$0x3FFD];
	_ =	sdelay $0x3  }
0x99: {  	_ =	strace s6  }
0x9a: {  	_ =	strace $0x8FFFFFFF  }
0x9b: {  	s19 =	sld [smem:$0x3FDB];
	_ =	sdelay $0x1  }
0x9c: {  	s7 =	simm.s32 $_scs_section_size  }
0x9d: {  	s8 =	simm.s32 $_size__tile_overlayer_lowered;
	s9 =	simm.s32 $_tile_overlayer_lowered  }
0x9e: {  	s22 =	simm.s32 $0x1BFF;
	s21 =	sshll.u32 s9, $0x1;
	s6 =	sadd.s32 s7, s19  }
0x9f: {  	s10 =	simm.s32 $0x0;
	s20 =	sshll.u32 s8, $0x1;
	s8 =	sadd.s32 s21, s6  }
0xa0: {  	[timem:s10], [sflag:s22] =	dma.local [hbm:s8], s20  }
0xa1: {  	_ =	swait.ge [sflag:s22], s20  }
0xa2: {  	s7 =	ssub.s32 $0x0, s20;
	[sflag:s22] =	ssyncset.done $0x0  }
0xa3: {  	[sflag:s22] =	ssyncadd.s32 s7;
	_ =	sdelay $0x1  }
0xa4: {  	s23 =	simm.s32 $0x1B8B  }
0xa5: {  	_ =	swait.ge [sflag:s23], $0x1  }
0xa6: {  	[sflag:s23] =	ssyncset.done $0x0  }
0xa7: {  	s25 =	simm.s32 $0x1B8E;
	s24 =	sld [smem:$0x3FFE];
	[sflag:s23] =	ssyncadd.s32 $0xFFFFFFFF  }
0xa8: {  	s26 =	simm.s32 $execute0_lowered;
	[smem:$0x3FD2] =	sst s25  }
0xa9: {  	s8 =	sshll.u32 s26, $0x1;
	_ =	strace $0x80000046;
	[dreg:$0x1] =	wrdreg $0xFFFFFFFF  }
0xaa: {  	s28 =	simm.s32 $_size_execute0_lowered;
	s6 =	sadd.s32 s6, s8;
	[dreg:$0x0] =	wrdreg $0x0  }
0xab: {  	s8 =	sshll.u32 s28, $0x1;
	[dreg:$0x2] =	wrdreg s6  }
0xac: {  	[dreg:$0x3] =	wrdreg s8  }
0xad: {  	[dreg:$0x4] =	wrdreg $0xC0  }
0xae: {  	_ =	task [dreg:s10], $0x5FFFF  }
0xaf: {  	[dreg:$0x1] =	wrdreg $0xFFFFFFFF  }
0xb0: {  	[dreg:$0x0] =	wrdreg $0x60  }
0xb1: {  	[dreg:$0x2] =	wrdreg s2  }
0xb2: {  	[dreg:$0x3] =	wrdreg s18  }
0xb3: {  	[dreg:$0x4] =	wrdreg s4  }
0xb4: {  	[dreg:$0x5] =	wrdreg s5  }
0xb5: {  	[dreg:$0x6] =	wrdreg s24  }
0xb6: {  	[dreg:$0x7] =	wrdreg $0x9  }
0xb7: {  	_ =	task.clear_ibuf [dreg:s10], $0x8FFFF;
	_ =	strace $0x90000046  }
0xb8: {  	s29 =	simm.s32 $0x9;
	_ =	strace $0x80000048  }
0xb9: {  	_ =	swait.ge [sflag:s29], $0x1  }
0xba: {  	[sflag:s29] =	ssyncadd.s32 $0xFFFFFFFF  }
0xbb: {  	_ =	strace $0x90000048  }
0xbc: {  	_ =	sfence  }
0xbd: {  	s30 =	sld [smem:$0x0];
	_ =	sdelay $0x2  }
0xbe: {  	s31 =	sshll.u32 s1, $0xD;
	s1 =	sshrl.u32 s1, $0x2  }
0xbf: {  	s3 =	sand.u32 $0x4000, s31;
	s1 =	sadd.s32 s1, s30  }
0xc0: {  	s0 =	sor.u32 s3, s0;
	s1 =	sshll.u32 s1, $0x11  }
0xc1: {  	s0 =	sor.u32 s1, s0  }
0xc2: {  	s0 =	sadd.s32 $0x8F2B, s0  }
0xc3: {  	[sflag:s0] =	ssyncadd.remote.s32 $0x1  }
0xc4: {  	_ =	sfence.sel $0xFFFF  }
0xc5: {  	[dreg:$0x0] =	wrdreg $0xFFFFFFFF;
	(pc) =	sbr.abs _section_cstart, $3  }
0xc6: {  	[dreg:$0x1] =	wrdreg $0xFFFFFFFF  }
0xc7: {  	_ =	task.clear_ibuf [dreg:s10], $0x2FFFF;
	_ =	strace $0x9FFFFFFF  }
0xc8: {  	(tm) =	ssettm $0x7FFFFFFF  }
0xc9: {  	_ =	shalt  }
tec
execute0_lowered:
.L_overlay_start_1:
0x0: {  	(tag) =	ssettag $0x1  }
0x1: {  	s0 =	rddreg [dreg:$0x0]  }
0x2: {  	s4 =	rddreg [dreg:$0x1]  }
0x3: {  	s5 =	rddreg [dreg:$0x2]  }
0x4: {  	s6 =	rddreg [dreg:$0x3]  }
0x5: {  	s7 =	rddreg [dreg:$0x4]  }
0x6: {  	s3 =	srdreg.scid;
	s2 =	stileid.u32  }
0x7: {  	s1 =	rddreg [dreg:$0x5];
	s12 =	simm.s32 $0x2000;
	s13 =	simm.s32 $0x600  }
0x8: {  	s14 =	simm.s32 $0x6600;
	s15 =	simm.s32 $0x2600;
	s16 =	simm.s32 $0x8600  }
0x9: {  	s17 =	simm.s32 $0x4600;
	s18 =	simm.s32 $0xA600;
	s19 =	simm.s32 $0x1  }
0xa: {  	s20 =	simm.s32 $0xC600;
	s21 =	simm.s32 $0x0;
	s8 =	sand.u32 $0x1, s3  }
0xb: {  	s9 =	sshll.u32 s2, $0x1;
	s3 =	simm.s32 $0x0;
	s10 =	ssub.s32 $0x2, s8  }
0xc: {  	s8 =	sor.u32 s8, s9;
	[smem:$0x7FF] =	sst s3;
	s31 =	sshrl.u32 s10, $0x1  }
0xd: {  	s11 =	sshll.u32 s8, $0x6;
	_ =	strace $0x80000047;
	s8 =	sshll.u32 s8, $0x1  }
0xe: {  	s9 =	ssub.s32 s10, s31;
	s4 =	sadd.s32 s4, s11;
	s5 =	sadd.s32 s5, s11  }
0xf: {  	s6 =	sadd.s32 s6, s11;
	s7 =	sadd.s32 s7, s8;
	s10 =	simm.s32 $0x200  }
0x10: {  	vm0 =	vcmask $0x704;
	vm1 =	vcmask $0x3F04;
	s11 =	simm.s32 $0x400;
	s8 =	smax.u32 s9, $0x1;
	s9 =	simm.s32 $0x2  }
.LBB2_1:
0x11: {  	[tilespmem:s3], [sflag:$0x2] =	stream.linear.gather [hbm4b:s4+s3], $0x200, $0x38;
	[tilespmem:$0xC610] =	vst v63  }
0x12: {  	_ =	swait.ge [sflag:s9], $0x200  }
0x13: {  	[sflag:s9] =	ssyncset.done $0x0  }
0x14: {  	[sflag:s9] =	ssyncadd.s32 $0xFFFFFE00  }
0x15: {  	[tilespmem:s10], [sflag:$0x2] =	stream.linear.gather [hbm4b:s5+s3], $0x200, $0x38;
	[tilespmem:$0xC610] =	vst v63  }
0x16: {  	_ =	swait.ge [sflag:s9], $0x200  }
0x17: {  	[sflag:s9] =	ssyncset.done $0x0  }
0x18: {  	[sflag:s9] =	ssyncadd.s32 $0xFFFFFE00  }
0x19: {  	[tilespmem:s11], [sflag:$0x2] =	stream.linear.gather [hbm4b:s6+s3], $0x200, $0x38;
	[tilespmem:$0xC610] =	vst v63  }
0x1a: {  	_ =	swait.ge [sflag:s9], $0x200  }
0x1b: {  	[sflag:s9] =	ssyncset.done $0x0  }
0x1c: {  	s24 =	simm.s32 $0x0;
	[sflag:s9] =	ssyncadd.s32 $0xFFFFFE00  }
0x1d: {  	v0 =	vld [tilespmem:s24+$0x0];
	_ =	sdelay $0x4  }
0x1e: {  	v1 =	vshll.u32 v0, $0x3  }
0x1f: {  	v0 =	vand.u32 $0x7F, v0;
	v1 =	vand.u32 $0xFFFFFC00, v1  }
0x20: {  	s25 =	simm.s32 $0x680;
	v2 =	vor.u32 v0, v1  }
0x21: {  	[tilespmem:s25+$0xFFFFFF80] =	vst v2;
	v0 =	vadd.s32 $0xF42780, v2  }
0x22: {  	v1 =	vadd.s32 $0xF42500, v2;
	[tilespmem:s25+$0x70] =	vst v0  }
0x23: {  	v3 =	vor.u32 $0x180, v2;
	[tilespmem:s25+$0x20] =	vst v1  }
0x24: {  	v5 =	vor.u32 $0x300, v2;
	[tilespmem:s25+$0xFFFFFFB0] =	vst v3  }
0x25: {  	v0 =	vor.u32 $0x100, v2;
	[tilespmem:s25+$0xFFFFFFE0] =	vst v5  }
0x26: {  	v1 =	vadd.s32 $0xF42700, v2;
	[tilespmem:s25+$0xFFFFFFA0] =	vst v0  }
0x27: {  	v0 =	vor.u32 $0x80, v2;
	[tilespmem:s25+$0x60] =	vst v1  }
0x28: {  	v1 =	vadd.s32 $0xF42600, v2;
	[tilespmem:s25+$0xFFFFFF90] =	vst v0  }
0x29: {  	s26 =	simm.s32 $0x4680;
	s30 =	simm.s32 $0x680;
	s22 =	simm.s32 $0x4680;
	v0 =	vor.u32 $0x380, v2;
	[tilespmem:s25+$0x40] =	vst v1  }
0x2a: {  	s28 =	simm.s32 $0x2680;
	s23 =	simm.s32 $0x2680;
	v4 =	vadd.s32 $0xF42580, v2;
	v3 =	vor.u32 $0x200, v2;
	v1 =	vadd.s32 $0xF42680, v2;
	[tilespmem:s25+$0xFFFFFFF0] =	vst v0  }
0x2b: {  	s29 =	simm.s32 $0x40;
	v0 =	vadd.s32 $0xF42480, v2;
	[tilespmem:s25+$0x50] =	vst v1;
	v1 =	vadd.s32 $0xF42400, v2;
	v2 =	vor.u32 $0x280, v2  }
.LBB2_2:
0x2c: {  	[tilespmem:s25+$0xFFFFFFC0] =	vst v3;
	s26 =	sadd.s32 $0x100, s26;
	s28 =	sadd.s32 $0x100, s28;
	s30 =	sadd.s32 $0x100, s30  }
0x2d: {  	p0 =	sne.s32 s29, $0x7C0;
	s31 =	smov.u32 s29;
	s29 =	sadd.s32 $0x40, s29;
	[tilespmem:s25+$0x30] =	vst v4  }
0x2e: {  	[tilespmem:s25+$0xFFFFFFD0] =	vst v2  }
0x2f: {  	[tilespmem:s25+$0x10] =	vst v0  }
0x30: {  	[tilespmem:s25+$0x0] =	vst v1;
	s25 =	smov.u32 s30  }
0x31: {  	v0 =	vld [tilespmem:s24+$0x200];
	_ =	sdelay $0x4  }
0x32: {  	v1 =	vshll.u32 v0, $0x3  }
0x33: {  	v0 =	vand.u32 $0x7F, v0;
	v1 =	vand.u32 $0xFFFFFC00, v1  }
0x34: {  	v0 =	vor.u32 v0, v1  }
0x35: {  	[tilespmem:s23+$0xFFFFFF80] =	vst v0;
	v1 =	vor.u32 $0x80, v0;
	v2 =	vor.u32 $0x100, v0;
	v3 =	vor.u32 $0x180, v0  }
0x36: {  	v4 =	vor.u32 $0x280, v0;
	v5 =	vor.u32 $0x300, v0;
	[tilespmem:s23+$0xFFFFFF90] =	vst v1;
	v1 =	vor.u32 $0x200, v0  }
0x37: {  	v6 =	vadd.s32 $0xF42400, v0;
	v7 =	vadd.s32 $0xF42480, v0;
	[tilespmem:s23+$0xFFFFFFC0] =	vst v1;
	v1 =	vor.u32 $0x380, v0  }
0x38: {  	v8 =	vadd.s32 $0xF42580, v0;
	v9 =	vadd.s32 $0xF42600, v0;
	[tilespmem:s23+$0x0] =	vst v6;
	v6 =	vadd.s32 $0xF42500, v0  }
0x39: {  	[tilespmem:s23+$0x30] =	vst v8;
	v8 =	vadd.s32 $0xF42780, v0  }
0x3a: {  	[tilespmem:s23+$0xFFFFFFD0] =	vst v4  }
0x3b: {  	[tilespmem:s23+$0x70] =	vst v8  }
0x3c: {  	[tilespmem:s23+$0xFFFFFFB0] =	vst v3  }
0x3d: {  	[tilespmem:s23+$0x20] =	vst v6  }
0x3e: {  	[tilespmem:s23+$0xFFFFFFA0] =	vst v2  }
0x3f: {  	[tilespmem:s23+$0xFFFFFFF0] =	vst v1  }
0x40: {  	[tilespmem:s23+$0xFFFFFFE0] =	vst v5  }
0x41: {  	[tilespmem:s23+$0x40] =	vst v9  }
0x42: {  	[tilespmem:s23+$0x10] =	vst v7  }
0x43: {  	v1 =	vadd.s32 $0xF42680, v0  }
0x44: {  	v0 =	vadd.s32 $0xF42700, v0;
	[tilespmem:s23+$0x50] =	vst v1  }
0x45: {  	[tilespmem:s23+$0x60] =	vst v0;
	s23 =	smov.u32 s28  }
0x46: {  	v0 =	vld [tilespmem:s24+$0x400];
	_ =	sdelay $0x4  }
0x47: {  	v1 =	vshll.u32 v0, $0x3  }
0x48: {  	v0 =	vand.u32 $0x7F, v0;
	v1 =	vand.u32 $0xFFFFFC00, v1  }
0x49: {  	v0 =	vor.u32 v0, v1  }
0x4a: {  	[tilespmem:s22+$0xFFFFFF80] =	vst v0;
	v1 =	vor.u32 $0x80, v0;
	v2 =	vor.u32 $0x100, v0;
	v3 =	vor.u32 $0x180, v0  }
0x4b: {  	v4 =	vor.u32 $0x280, v0;
	v5 =	vor.u32 $0x300, v0;
	[tilespmem:s22+$0xFFFFFF90] =	vst v1;
	v1 =	vor.u32 $0x200, v0  }
0x4c: {  	v6 =	vadd.s32 $0xF42400, v0;
	v7 =	vadd.s32 $0xF42480, v0;
	[tilespmem:s22+$0xFFFFFFC0] =	vst v1;
	v1 =	vor.u32 $0x380, v0  }
0x4d: {  	v8 =	vadd.s32 $0xF42580, v0;
	[tilespmem:s22+$0xFFFFFFF0] =	vst v1;
	v1 =	vadd.s32 $0xF42500, v0  }
0x4e: {  	v9 =	vadd.s32 $0xF42680, v0;
	v10 =	vadd.s32 $0xF42700, v0;
	[tilespmem:s22+$0x0] =	vst v6;
	v6 =	vadd.s32 $0xF42600, v0  }
0x4f: {  	v0 =	vadd.s32 $0xF42780, v0;
	[tilespmem:s22+$0x60] =	vst v10  }
0x50: {  	s24 =	sshra.s32 s31, $0x2;
	[tilespmem:s22+$0xFFFFFFD0] =	vst v4  }
0x51: {  	[tilespmem:s22+$0xFFFFFFE0] =	vst v5  }
0x52: {  	[tilespmem:s22+$0x50] =	vst v9  }
0x53: {  	[tilespmem:s22+$0x20] =	vst v1  }
0x54: {  	[tilespmem:s22+$0x30] =	vst v8  }
0x55: {  	[tilespmem:s22+$0x10] =	vst v7  }
0x56: {  	[tilespmem:s22+$0xFFFFFFA0] =	vst v2  }
0x57: {  	[tilespmem:s22+$0xFFFFFFB0] =	vst v3  }
0x58: {  	[tilespmem:s22+$0x40] =	vst v6  }
0x59: {  	[tilespmem:s22+$0x70] =	vst v0;
	s22 =	smov.u32 s26;
	_ =	sdelay $0x1  }
0x5a: {  	v0 =	vld [tilespmem:s24+$0x0];
	_ =	sdelay $0x4  }
0x5b: {  	v1 =	vshll.u32 v0, $0x3  }
0x5c: {  	v0 =	vand.u32 $0x7F, v0;
	v1 =	vand.u32 $0xFFFFFC00, v1  }
0x5d: {  	v4 =	vor.u32 v0, v1  }
0x5e: {  	[tilespmem:s30+$0xFFFFFF80] =	vst v4;
	v5 =	vor.u32 $0x180, v4;
	v6 =	vor.u32 $0x300, v4;
	v0 =	vadd.s32 $0xF42780, v4  }
0x5f: {  	v3 =	vor.u32 $0x200, v4;
	v1 =	vadd.s32 $0xF42500, v4;
	v7 =	vadd.s32 $0xF42700, v4;
	[tilespmem:s30+$0x70] =	vst v0  }
0x60: {  	v8 =	vor.u32 $0x80, v4;
	v2 =	vor.u32 $0x280, v4;
	v0 =	vor.u32 $0x100, v4;
	[tilespmem:s30+$0x20] =	vst v1  }
0x61: {  	v9 =	vor.u32 $0x380, v4;
	v10 =	vadd.s32 $0xF42600, v4;
	[tilespmem:s30+$0xFFFFFFA0] =	vst v0;
	v0 =	vadd.s32 $0xF42480, v4  }
0x62: {  	v11 =	vadd.s32 $0xF42680, v4;
	v1 =	vadd.s32 $0xF42400, v4;
	[tilespmem:s30+$0x60] =	vst v7  }
0x63: {  	[tilespmem:s30+$0xFFFFFF90] =	vst v8  }
.Ltmp0:
0x64: {  	[tilespmem:s30+$0x40] =	vst v10;
	(pc) =	sbr.rel @p0 .LBB2_2-.Ltmp0, $4  }
0x65: {  	v4 =	vadd.s32 $0xF42580, v4;
	[tilespmem:s30+$0xFFFFFFF0] =	vst v9  }
0x66: {  	[tilespmem:s30+$0x50] =	vst v11  }
0x67: {  	[tilespmem:s30+$0xFFFFFFB0] =	vst v5  }
0x68: {  	[tilespmem:s30+$0xFFFFFFE0] =	vst v6  }
0x69: {  	[tilespmem:s25+$0xFFFFFFC0] =	vst v3  }
0x6a: {  	[tilespmem:s25+$0x30] =	vst v4  }
0x6b: {  	[tilespmem:s25+$0xFFFFFFD0] =	vst v2  }
0x6c: {  	[tilespmem:s25+$0x10] =	vst v0  }
0x6d: {  	[tilespmem:s25+$0x0] =	vst v1  }
0x6e: {  	v0 =	vld [tilespmem:s24+$0x200];
	_ =	sdelay $0x4  }
0x6f: {  	v1 =	vshll.u32 v0, $0x3  }
0x70: {  	v0 =	vand.u32 $0x7F, v0;
	v1 =	vand.u32 $0xFFFFFC00, v1  }
0x71: {  	v0 =	vor.u32 v0, v1  }
0x72: {  	[tilespmem:s23+$0xFFFFFF80] =	vst v0;
	v1 =	vor.u32 $0x80, v0  }
0x73: {  	v2 =	vor.u32 $0x280, v0;
	[tilespmem:s23+$0xFFFFFF90] =	vst v1  }
0x74: {  	v1 =	vor.u32 $0x200, v0;
	[tilespmem:s23+$0xFFFFFFD0] =	vst v2  }
0x75: {  	v2 =	vor.u32 $0x180, v0;
	[tilespmem:s23+$0xFFFFFFC0] =	vst v1  }
0x76: {  	v1 =	vadd.s32 $0xF42400, v0;
	[tilespmem:s23+$0xFFFFFFB0] =	vst v2  }
0x77: {  	v2 =	vor.u32 $0x100, v0;
	[tilespmem:s23+$0x0] =	vst v1  }
0x78: {  	v1 =	vadd.s32 $0xF42580, v0;
	[tilespmem:s23+$0xFFFFFFA0] =	vst v2  }
0x79: {  	v2 =	vor.u32 $0x300, v0;
	[tilespmem:s23+$0x30] =	vst v1  }
0x7a: {  	v1 =	vadd.s32 $0xF42780, v0;
	[tilespmem:s23+$0xFFFFFFE0] =	vst v2  }
0x7b: {  	v2 =	vadd.s32 $0xF42480, v0;
	[tilespmem:s23+$0x70] =	vst v1  }
0x7c: {  	v1 =	vadd.s32 $0xF42500, v0;
	[tilespmem:s23+$0x10] =	vst v2  }
0x7d: {  	[tilespmem:s23+$0x20] =	vst v1;
	v1 =	vor.u32 $0x380, v0  }
0x7e: {  	[tilespmem:s23+$0xFFFFFFF0] =	vst v1;
	v1 =	vadd.s32 $0xF42600, v0  }
0x7f: {  	[tilespmem:s23+$0x40] =	vst v1;
	v1 =	vadd.s32 $0xF42680, v0  }
0x80: {  	v0 =	vadd.s32 $0xF42700, v0;
	[tilespmem:s23+$0x50] =	vst v1  }
0x81: {  	[tilespmem:s23+$0x60] =	vst v0  }
0x82: {  	v0 =	vld [tilespmem:s24+$0x400];
	_ =	sdelay $0x4  }
0x83: {  	v1 =	vshll.u32 v0, $0x3  }
0x84: {  	v0 =	vand.u32 $0x7F, v0;
	v1 =	vand.u32 $0xFFFFFC00, v1  }
0x85: {  	v0 =	vor.u32 v0, v1  }
0x86: {  	[tilespmem:s22+$0xFFFFFF80] =	vst v0;
	v1 =	vor.u32 $0x80, v0  }
0x87: {  	v2 =	vadd.s32 $0xF42400, v0;
	[tilespmem:s22+$0xFFFFFF90] =	vst v1  }
0x88: {  	v1 =	vor.u32 $0x200, v0;
	[tilespmem:s22+$0x0] =	vst v2  }
0x89: {  	v2 =	vor.u32 $0x280, v0;
	[tilespmem:s22+$0xFFFFFFC0] =	vst v1  }
0x8a: {  	v1 =	vor.u32 $0x380, v0;
	[tilespmem:s22+$0xFFFFFFD0] =	vst v2  }
0x8b: {  	v2 =	vadd.s32 $0xF42680, v0;
	[tilespmem:s22+$0xFFFFFFF0] =	vst v1  }
0x8c: {  	v1 =	vadd.s32 $0xF42700, v0;
	[tilespmem:s22+$0x50] =	vst v2  }
0x8d: {  	v2 =	vadd.s32 $0xF42580, v0;
	[tilespmem:s22+$0x60] =	vst v1  }
0x8e: {  	v1 =	vor.u32 $0x300, v0;
	[tilespmem:s22+$0x30] =	vst v2  }
0x8f: {  	v2 =	vor.u32 $0x100, v0;
	[tilespmem:s22+$0xFFFFFFE0] =	vst v1  }
0x90: {  	v1 =	vadd.s32 $0xF42500, v0;
	[tilespmem:s22+$0xFFFFFFA0] =	vst v2  }
0x91: {  	v2 =	vadd.s32 $0xF42600, v0;
	[tilespmem:s22+$0x20] =	vst v1  }
0x92: {  	v1 =	vadd.s32 $0xF42480, v0;
	[tilespmem:s22+$0x40] =	vst v2  }
0x93: {  	[tilespmem:s22+$0x10] =	vst v1;
	v1 =	vor.u32 $0x180, v0  }
0x94: {  	v0 =	vadd.s32 $0xF42780, v0;
	[tilespmem:s22+$0xFFFFFFB0] =	vst v1  }
0x95: {  	[tilespmem:s22+$0x70] =	vst v0  }
0x96: {  	[tilespmem:s14], [sflag:$0x1] =	stream.indirect.gather [hbm4b:s0+s12], $0x1, s13, s12, $0xb8;
	[tilespmem:$0xC610] =	vst v63  }
0x97: {  	_ = 	snop  }
0x98: {  	[tilespmem:s16], [sflag:$0x1] =	stream.indirect.gather [hbm4b:s0+s12], $0x1, s15, s12, $0xb8;
	[tilespmem:$0xC610] =	vst v63  }
0x99: {  	_ = 	snop  }
0x9a: {  	[tilespmem:s18], [sflag:$0x1] =	stream.indirect.gather [hbm4b:s0+s12], $0x1, s17, s12, $0xb8;
	[tilespmem:$0xC610] =	vst v63  }
0x9b: {  	_ =	swait.ge [sflag:s19], $0x2000  }
0x9c: {  	[sflag:s19] =	ssyncset.done $0x0  }
0x9d: {  	[sflag:s19] =	ssyncadd.s32 $0xFFFFE000  }
0x9e: {  	_ =	swait.ge [sflag:s19], $0x2000  }
0x9f: {  	[sflag:s19] =	ssyncset.done $0x0  }
0xa0: {  	[sflag:s19] =	ssyncadd.s32 $0xFFFFE000  }
0xa1: {  	_ =	swait.ge [sflag:s19], $0x2000  }
0xa2: {  	[sflag:s19] =	ssyncset.done $0x0  }
0xa3: {  	s25 =	simm.s32 $0x0;
	[sflag:s19] =	ssyncadd.s32 $0xFFFFE000  }
0xa4: {  	v1 =	vld [tilespmem:s25+$0x86F0]  }
0xa5: {  	v4 =	vld [tilespmem:s25+$0x86B0]  }
0xa6: {  	v6 =	vld [tilespmem:s25+$0x86A0]  }
0xa7: {  	v7 =	vld [tilespmem:s25+$0x8690]  }
0xa8: {  	v0 =	vld [tilespmem:s25+$0x8680]  }
0xa9: {  	v9 =	vld [tilespmem:s25+$0x8670]  }
0xaa: {  	v10 =	vld [tilespmem:s25+$0x8660]  }
0xab: {  	v3 =	vld [tilespmem:s25+$0x8650]  }
0xac: {  	v2 =	vld [tilespmem:s25+$0x8640]  }
0xad: {  	v11 =	vld [tilespmem:s25+$0x6600]  }
0xae: {  	v12 =	vld [tilespmem:s25+$0x8600]  }
0xaf: {  	v13 =	vld [tilespmem:s25+$0xA600]  }
0xb0: {  	v15 =	vld [tilespmem:s25+$0xA610]  }
0xb1: {  	v16 =	vld [tilespmem:s25+$0xA620]  }
0xb2: {  	v28 =	vimm.f32 $0.0e+00;
	v20 =	vld [tilespmem:s25+$0xA630]  }
0xb3: {  	[tilespmem:$0x1FF60] =	vst v28;
	v28 =	vld [tilespmem:s25+$0xA660]  }
0xb4: {  	v8 =	vld [tilespmem:s25+$0x8620]  }
0xb5: {  	v41 =	vld [tilespmem:s25+$0x66A0];
	v18 =	vmul.f32 v12, v12;
	v19 =	vmul.f32 v13, v13  }
0xb6: {  	v56 =	vld [tilespmem:s25+$0xA6C0];
	v12 =	vsub.f32 v12, v13;
	v13 =	vmul.f32 v11, v11;
	v22 =	vmul.f32 v15, v15  }
0xb7: {  	v14 =	vld [tilespmem:s25+$0x8610];
	v24 =	vmul.f32 v16, v16;
	v26 =	vmul.f32 v20, v20  }
0xb8: {  	v39 =	vld [tilespmem:s25+$0x86C0];
	v33 =	vmul.f32 v28, v28;
	v53 =	vmul.f32 v9, v9  }
0xb9: {  	v17 =	vld [tilespmem:s25+$0x6610];
	v54 =	vmul.f32 v0, v0;
	v55 =	vmul.f32 v7, v7  }
0xba: {  	v5 =	vld [tilespmem:s25+$0x8630];
	v57 =	vmul.f32 v6, v6;
	v59 =	vmul.f32 v4, v4  }
0xbb: {  	v21 =	vld [tilespmem:s25+$0x6620];
	v60 =	vmul.f32 v41, v41;
	v46 =	vmul.f32 v56, v56;
	v18 =	vadd.f32 v19, v18  }
0xbc: {  	v23 =	vld [tilespmem:s25+$0xA640];
	v19 =	vmul.f32 v14, v14;
	v14 =	vsub.f32 v14, v15;
	v15 =	vmul.f32 v8, v8  }
0xbd: {  	v29 =	vimm.f32 $0.0e+00;
	v25 =	vld [tilespmem:s25+$0x6630];
	v11 =	vmul.f32 v12, v11;
	v12 =	vmul.f32 v39, v39  }
0xbe: {  	v13 =	vadd.f32 v18, v13;
	v18 =	vmul.f32 v17, v17;
	v19 =	vadd.f32 v22, v19;
	v22 =	vld [tilespmem:s25+$0xA650]  }
0xbf: {  	v27 =	vld [tilespmem:s25+$0x6640];
	v8 =	vsub.f32 v8, v16;
	v15 =	vadd.f32 v24, v15;
	v24 =	vmul.f32 v5, v5  }
0xc0: {  	v30 =	vld [tilespmem:s25+$0x6650];
	v13 =	vadd.f32 v13, v29;
	v18 =	vadd.f32 v19, v18;
	v19 =	vmul.f32 v21, v21  }
0xc1: {  	v32 =	vld [tilespmem:s25+$0x6660];
	v24 =	vadd.f32 v26, v24;
	v26 =	vmul.f32 v2, v2;
	v29 =	vmul.f32 v23, v23  }
0xc2: {  	v13 =	vadd.f32 v18, v13;
	v15 =	vadd.f32 v15, v19;
	v18 =	vmul.f32 v25, v25;
	v19 =	vld [tilespmem:s25+$0xA670]  }
0xc3: {  	v34 =	vld [tilespmem:s25+$0x6670];
	v26 =	vadd.f32 v29, v26;
	v29 =	vmul.f32 v3, v3;
	v31 =	vmul.f32 v22, v22  }
0xc4: {  	v13 =	vadd.f32 v15, v13;
	v15 =	vadd.f32 v24, v18;
	v18 =	vmul.f32 v27, v27;
	v24 =	vld [tilespmem:s25+$0xA680]  }
0xc5: {  	v36 =	vld [tilespmem:s25+$0x6680];
	v14 =	vmul.f32 v14, v17;
	v29 =	vadd.f32 v31, v29;
	v31 =	vmul.f32 v10, v10  }
0xc6: {  	v13 =	vadd.f32 v15, v13;
	v15 =	vadd.f32 v26, v18;
	v18 =	vmul.f32 v30, v30;
	v26 =	vld [tilespmem:s25+$0xA690]  }
0xc7: {  	v38 =	vld [tilespmem:s25+$0x6690];
	v11 =	vadd.f32 $0.0e+00, v11;
	v31 =	vadd.f32 v33, v31;
	v35 =	vmul.f32 v19, v19  }
0xc8: {  	v43 =	vld [tilespmem:s25+$0x86E0];
	v13 =	vadd.f32 v15, v13;
	v15 =	vadd.f32 v29, v18;
	v18 =	vmul.f32 v32, v32  }
0xc9: {  	v58 =	vld [tilespmem:s25+$0x66B0];
	v12 =	vadd.f32 v46, v12;
	v33 =	vadd.f32 v35, v53;
	v37 =	vmul.f32 v24, v24  }
0xca: {  	v29 =	vld [tilespmem:s25+$0xA6A0];
	v13 =	vadd.f32 v15, v13;
	v15 =	vadd.f32 v31, v18;
	v18 =	vmul.f32 v34, v34  }
0xcb: {  	v45 =	vld [tilespmem:s25+$0x86D0];
	v5 =	vsub.f32 v5, v20;
	v35 =	vadd.f32 v37, v54;
	v40 =	vmul.f32 v26, v26  }
0xcc: {  	v61 =	vld [tilespmem:s25+$0x66C0];
	v13 =	vadd.f32 v15, v13;
	v15 =	vadd.f32 v33, v18;
	v18 =	vmul.f32 v36, v36  }
0xcd: {  	v11 =	vadd.f32 v14, v11;
	v14 =	vmul.f32 v8, v21;
	v31 =	vld [tilespmem:s25+$0xA6B0];
	v37 =	vadd.f32 v40, v55  }
0xce: {  	v62 =	vld [tilespmem:s25+$0xA6F0];
	v13 =	vadd.f32 v15, v13;
	v15 =	vadd.f32 v35, v18;
	v18 =	vmul.f32 v38, v38  }
0xcf: {  	v47 =	vld [tilespmem:s25+$0xA6E0];
	v5 =	vmul.f32 v5, v25;
	v11 =	vadd.f32 v14, v11;
	v42 =	vmul.f32 v29, v29  }
0xd0: {  	v16 =	vmul.f32 v58, v58;
	v13 =	vadd.f32 v15, v13;
	v15 =	vadd.f32 v37, v18;
	v18 =	vld [tilespmem:s25+$0xA6D0]  }
0xd1: {  	v63 =	vld [tilespmem:s25+$0x66E0];
	v20 =	vmul.f32 v45, v45;
	v11 =	vadd.f32 v5, v11;
	v40 =	vadd.f32 v42, v57  }
0xd2: {  	v17 =	vld [tilespmem:s25+$0x66D0];
	v10 =	vsub.f32 v10, v28;
	v9 =	vsub.f32 v9, v19;
	v44 =	vmul.f32 v31, v31  }
0xd3: {  	s26 =	simm.s32 $0x100;
	v8 =	vld [tilespmem:s25+$0x66F0];
	v25 =	vmul.f32 v62, v62;
	v13 =	vadd.f32 v15, v13;
	v15 =	vadd.f32 v40, v60  }
0xd4: {  	v28 =	vld [tilespmem:s26+$0x6620];
	v10 =	vmul.f32 v10, v32;
	v0 =	vsub.f32 v0, v24;
	v42 =	vadd.f32 v44, v59  }
0xd5: {  	v24 =	vld [tilespmem:s26+$0x8610];
	v13 =	vadd.f32 v15, v13;
	v15 =	vsub.f32 v2, v23;
	v21 =	vmul.f32 v18, v18  }
0xd6: {  	v9 =	vmul.f32 v9, v34;
	v7 =	vsub.f32 v7, v26;
	v26 =	vld [tilespmem:s26+$0xA610];
	v14 =	vadd.f32 v42, v16  }
0xd7: {  	v33 =	vld [tilespmem:s26+$0x6640];
	v15 =	vmul.f32 v15, v27;
	v20 =	vadd.f32 v21, v20;
	v21 =	vsub.f32 v3, v22  }
0xd8: {  	v6 =	vsub.f32 v6, v29;
	v7 =	vmul.f32 v7, v38;
	v35 =	vld [tilespmem:s26+$0x6650];
	v16 =	vmul.f32 v61, v61  }
0xd9: {  	v38 =	vld [tilespmem:s26+$0xA680];
	v14 =	vadd.f32 v14, v13;
	v15 =	vadd.f32 v15, v11;
	v13 =	vmul.f32 v21, v30  }
0xda: {  	v4 =	vsub.f32 v4, v31;
	v6 =	vmul.f32 v6, v41;
	v31 =	vld [tilespmem:s26+$0x6630];
	v16 =	vadd.f32 v12, v16  }
0xdb: {  	v41 =	vld [tilespmem:s26+$0x6680];
	v23 =	vmul.f32 v47, v47;
	v22 =	vmul.f32 v43, v43;
	v19 =	vadd.f32 v13, v15  }
0xdc: {  	v0 =	vmul.f32 v0, v36;
	v42 =	vld [tilespmem:s26+$0xA6A0];
	v27 =	vadd.f32 v16, v14;
	v21 =	vmul.f32 v17, v17  }
0xdd: {  	v12 =	vld [tilespmem:s26+$0x8680];
	v22 =	vadd.f32 v23, v22;
	v23 =	vmul.f32 v1, v1;
	v16 =	vadd.f32 v10, v19  }
0xde: {  	v29 =	vmul.f32 v26, v26;
	v2 =	vld [tilespmem:s26+$0x86C0];
	v19 =	vadd.f32 v20, v21;
	v20 =	vmul.f32 v63, v63  }
0xdf: {  	v4 =	vmul.f32 v4, v58;
	v3 =	vld [tilespmem:s26+$0x86A0];
	v21 =	vadd.f32 v25, v23;
	v23 =	vadd.f32 v9, v16  }
0xe0: {  	v14 =	vld [tilespmem:s26+$0x8640];
	v19 =	vadd.f32 v19, v27;
	v20 =	vadd.f32 v22, v20;
	v22 =	vmul.f32 v8, v8  }
0xe1: {  	v53 =	vmul.f32 v38, v38;
	v18 =	vsub.f32 v45, v18;
	v16 =	vld [tilespmem:s26+$0x8630];
	v0 =	vadd.f32 v0, v23  }
0xe2: {  	v52 =	vmul.f32 v12, v12;
	v19 =	vadd.f32 v20, v19;
	v20 =	vadd.f32 v21, v22;
	v21 =	vld [tilespmem:s26+$0x8600]  }
0xe3: {  	v58 =	vmul.f32 v42, v42;
	v12 =	vsub.f32 v12, v38;
	v0 =	vadd.f32 v7, v0;
	v7 =	vld [tilespmem:s26+$0xA600]  }
0xe4: {  	v17 =	vmul.f32 v18, v17;
	v36 =	vadd.f32 v53, v52;
	v9 =	vld [tilespmem:s26+$0x8620];
	v22 =	vsub.f32 v39, v56  }
0xe5: {  	v60 =	vmul.f32 v2, v2;
	v25 =	vsub.f32 v43, v47;
	v23 =	vld [tilespmem:s26+$0x6600];
	v6 =	vadd.f32 v6, v0  }
0xe6: {  	v57 =	vmul.f32 v3, v3;
	v27 =	vadd.f32 v20, v19;
	v20 =	vmul.f32 v22, v61;
	v22 =	vld [tilespmem:s26+$0xA620]  }
0xe7: {  	v12 =	vmul.f32 v12, v41;
	v0 =	vmul.f32 v25, v63;
	v4 =	vadd.f32 v4, v6;
	v6 =	vld [tilespmem:s26+$0x6610]  }
0xe8: {  	v19 =	vsub.f32 v1, v62;
	v25 =	vld [tilespmem:s26+$0xA630];
	v1 =	vmul.f32 v21, v21;
	v18 =	vmul.f32 v7, v7  }
0xe9: {  	v11 =	vld [tilespmem:s26+$0x8690];
	v44 =	vmul.f32 v14, v14;
	v7 =	vsub.f32 v21, v7;
	v4 =	vadd.f32 v20, v4  }
0xea: {  	v30 =	vld [tilespmem:s26+$0xA640];
	v21 =	vmul.f32 v23, v23;
	v1 =	vadd.f32 v18, v1;
	v18 =	vmul.f32 v24, v24  }
0xeb: {  	v10 =	vld [tilespmem:s26+$0x8650];
	v20 =	vadd.f32 v17, v4;
	v4 =	vmul.f32 v9, v9;
	v17 =	vmul.f32 v22, v22  }
0xec: {  	v1 =	vadd.f32 v1, v21;
	v21 =	vmul.f32 v6, v6;
	v18 =	vadd.f32 v29, v18;
	v29 =	vld [tilespmem:s26+$0xA650]  }
0xed: {  	v15 =	vld [tilespmem:s26+$0x8660];
	v43 =	vmul.f32 v25, v25;
	v4 =	vadd.f32 v17, v4;
	v17 =	vmul.f32 v16, v16  }
0xee: {  	v1 =	vadd.f32 v1, v27;
	v18 =	vadd.f32 v18, v21;
	v21 =	vmul.f32 v28, v28;
	v27 =	vld [tilespmem:s26+$0xA660]  }
0xef: {  	v13 =	vld [tilespmem:s26+$0x8670];
	v54 =	vmul.f32 v11, v11;
	v45 =	vmul.f32 v30, v30;
	v17 =	vadd.f32 v43, v17  }
0xf0: {  	v1 =	vadd.f32 v18, v1;
	v4 =	vadd.f32 v4, v21;
	v18 =	vmul.f32 v31, v31;
	v21 =	vld [tilespmem:s26+$0xA670]  }
0xf1: {  	v37 =	vld [tilespmem:s26+$0x6660];
	v32 =	vadd.f32 v45, v44;
	v46 =	vmul.f32 v10, v10;
	v47 =	vmul.f32 v29, v29  }
0xf2: {  	v59 =	vld [tilespmem:s26+$0x86D0];
	v1 =	vadd.f32 v4, v1;
	v4 =	vadd.f32 v17, v18;
	v17 =	vmul.f32 v33, v33  }
0xf3: {  	v48 =	vmul.f32 v15, v15;
	v39 =	vld [tilespmem:s26+$0x6670];
	v18 =	vadd.f32 v47, v46;
	v49 =	vmul.f32 v27, v27  }
0xf4: {  	v1 =	vadd.f32 v4, v1;
	v4 =	vadd.f32 v32, v17;
	v17 =	vmul.f32 v35, v35;
	v32 =	vld [tilespmem:s26+$0xA690]  }
0xf5: {  	v50 =	vmul.f32 v13, v13;
	v34 =	vadd.f32 v49, v48;
	v51 =	vmul.f32 v21, v21  }
0xf6: {  	v5 =	vld [tilespmem:s26+$0x86B0];
	v1 =	vadd.f32 v4, v1;
	v4 =	vadd.f32 v18, v17;
	v17 =	vmul.f32 v37, v37  }
0xf7: {  	v14 =	vsub.f32 v14, v30;
	v62 =	vmul.f32 v59, v59;
	v43 =	vld [tilespmem:s26+$0x6690];
	v18 =	vadd.f32 v51, v50  }
0xf8: {  	v1 =	vadd.f32 v4, v1;
	v4 =	vadd.f32 v34, v17;
	v17 =	vmul.f32 v39, v39  }
0xf9: {  	v45 =	vld [tilespmem:s26+$0x66A0];
	v24 =	vsub.f32 v24, v26;
	v22 =	vsub.f32 v9, v22;
	v55 =	vmul.f32 v32, v32  }
0xfa: {  	v34 =	vld [tilespmem:s26+$0xA6B0];
	v1 =	vadd.f32 v4, v1;
	v4 =	vadd.f32 v18, v17;
	v17 =	vmul.f32 v41, v41  }
0xfb: {  	v26 =	vmul.f32 v5, v5;
	v16 =	vsub.f32 v16, v25;
	v18 =	vadd.f32 v55, v54  }
0xfc: {  	v48 =	vld [tilespmem:s26+$0x66B0];
	v1 =	vadd.f32 v4, v1;
	v4 =	vadd.f32 v36, v17;
	v17 =	vmul.f32 v43, v43  }
0xfd: {  	v6 =	vmul.f32 v24, v6;
	v0 =	vadd.f32 v0, v20;
	v46 =	vld [tilespmem:s26+$0xA6C0];
	v15 =	vsub.f32 v15, v27  }
0xfe: {  	v52 =	vld [tilespmem:s26+$0x66C0];
	v16 =	vmul.f32 v16, v31;
	v1 =	vadd.f32 v4, v1;
	v4 =	vadd.f32 v18, v17  }
0xff: {  	v56 =	vld [tilespmem:s26+$0x86F0];
	v49 =	vmul.f32 v34, v34;
	v17 =	vmul.f32 v45, v45;
	v18 =	vadd.f32 v58, v57  }
0x100: {  	v24 =	vld [tilespmem:s26+$0xA6F0];
	v13 =	vsub.f32 v13, v21;
	v1 =	vadd.f32 v4, v1;
	v4 =	vmul.f32 v7, v23  }
0x101: {  	v50 =	vld [tilespmem:s26+$0xA6D0];
	v26 =	vadd.f32 v49, v26;
	v17 =	vadd.f32 v18, v17;
	v18 =	vmul.f32 v48, v48  }
0x102: {  	v15 =	vmul.f32 v15, v37;
	v51 =	vld [tilespmem:s26+$0x86E0];
	v2 =	vsub.f32 v2, v46;
	v4 =	vadd.f32 $0.0e+00, v4  }
0x103: {  	v61 =	vmul.f32 v46, v46;
	v23 =	vld [tilespmem:s26+$0xA6E0];
	v17 =	vadd.f32 v17, v1;
	v18 =	vadd.f32 v26, v18  }
0x104: {  	s28 =	simm.s32 $0x200;
	v20 =	vsub.f32 v11, v32;
	v7 =	vld [tilespmem:s26+$0x66D0];
	v1 =	vadd.f32 v6, v4;
	v4 =	vmul.f32 v22, v28  }
0x105: {  	v17 =	vadd.f32 v18, v17;
	v18 =	vsub.f32 v10, v29;
	v29 =	vmul.f32 v14, v33;
	v14 =	vld [tilespmem:s28+$0x86A0]  }
0x106: {  	v40 =	vadd.f32 v61, v60;
	v2 =	vmul.f32 v2, v52;
	v63 =	vmul.f32 v50, v50;
	v33 =	vld [tilespmem:s28+$0xA630]  }
0x107: {  	v20 =	vmul.f32 v20, v43;
	v22 =	vmul.f32 v52, v52;
	v10 =	vld [tilespmem:s28+$0x86B0];
	v26 =	vadd.f32 v4, v1  }
0x108: {  	v9 =	vld [tilespmem:s26+$0x66E0];
	v25 =	vadd.f32 v63, v62;
	v28 =	vmul.f32 v51, v51;
	v30 =	vmul.f32 v23, v23  }
0x109: {  	v4 =	vld [tilespmem:s28+$0x86C0];
	v22 =	vadd.f32 v40, v22;
	v18 =	vmul.f32 v18, v35;
	v16 =	vadd.f32 v16, v26  }
0x10a: {  	v31 =	vld [tilespmem:s28+$0xA620];
	v28 =	vadd.f32 v30, v28;
	v30 =	vmul.f32 v24, v24;
	v26 =	vmul.f32 v7, v7  }
0x10b: {  	v47 =	vmul.f32 v33, v33;
	v60 =	vmul.f32 v14, v14;
	v27 =	vadd.f32 v29, v16;
	v16 =	vld [tilespmem:s28+$0x8690]  }
0x10c: {  	v6 =	vld [tilespmem:s26+$0x66F0];
	v22 =	vadd.f32 v22, v17;
	v62 =	vmul.f32 v10, v10;
	v29 =	vmul.f32 v56, v56  }
0x10d: {  	v21 =	vadd.f32 v18, v27;
	v18 =	vld [tilespmem:s28+$0x8670];
	v27 =	vmul.f32 v19, v8;
	v8 =	vadd.f32 v25, v26  }
0x10e: {  	v63 =	vmul.f32 v4, v4;
	v25 =	vadd.f32 v30, v29;
	v26 =	vmul.f32 v13, v39;
	v30 =	vld [tilespmem:s28+$0xA610]  }
0x10f: {  	v19 =	vld [tilespmem:s28+$0x8660];
	v15 =	vadd.f32 v15, v21;
	v21 =	vmul.f32 v9, v9;
	v22 =	vadd.f32 v8, v22  }
0x110: {  	v32 =	vld [tilespmem:s28+$0xA650];
	v0 =	vadd.f32 v27, v0;
	v27 =	vsub.f32 v3, v42;
	v58 =	vmul.f32 v16, v16  }
0x111: {  	v17 =	vld [tilespmem:s28+$0x8680];
	v26 =	vadd.f32 v26, v15;
	v21 =	vadd.f32 v28, v21;
	v28 =	vmul.f32 v6, v6  }
0x112: {  	v8 =	vld [tilespmem:s28+$0x8640];
	v3 =	vsub.f32 $0.0e+00, v0;
	v0 =	vsub.f32 v5, v34;
	v5 =	vmul.f32 v27, v45  }
0x113: {  	v29 =	vld [tilespmem:s28+$0x8600];
	v45 =	vmul.f32 v31, v31;
	v44 =	vmul.f32 v30, v30  }
0x114: {  	v13 =	vld [tilespmem:s28+$0x8650];
	v52 =	vmul.f32 v19, v19;
	v54 =	vmul.f32 v18, v18;
	v26 =	vadd.f32 v12, v26  }
0x115: {  	v15 =	vld [tilespmem:s28+$0x8630];
	v21 =	vadd.f32 v21, v22;
	v22 =	vadd.f32 v25, v28;
	v25 =	vand.u32 $0x7FFFFFFF, v3  }
0x116: {  	v34 =	vld [tilespmem:s28+$0xA640];
	v28 =	vmul.f32 v0, v48;
	v0 =	vsub.f32 v51, v23;
	v51 =	vmul.f32 v32, v32  }
0x117: {  	v25 =	vsub.f32 $0.0e+00, v25;
	v48 =	vmul.f32 v8, v8;
	v20 =	vadd.f32 v20, v26;
	v26 =	vld [tilespmem:s28+$0xA600]  }
0x118: {  	v27 =	vld [tilespmem:s28+$0x8610];
	v21 =	vadd.f32 v22, v21;
	v22 =	vsub.f32 v56, v24;
	v24 =	vmul.f32 v29, v29  }
0x119: {  	v12 =	vld [tilespmem:s28+$0x6600];
	v56 =	vmul.f32 v17, v17;
	v0 =	vmul.f32 v0, v9;
	v5 =	vadd.f32 v5, v20  }
0x11a: {  	v11 =	vld [tilespmem:s28+$0x8620];
	v32 =	vsub.f32 v13, v32;
	v25 =	vmul.f32 $1.442695020e+00, v25;
	v46 =	vmul.f32 v15, v15  }
0x11b: {  	v49 =	vmul.f32 v34, v34;
	v15 =	vsub.f32 v15, v33;
	v5 =	vadd.f32 v28, v5;
	v28 =	vld [tilespmem:s28+$0x6610]  }
0x11c: {  	v34 =	vsub.f32 v8, v34;
	v20 =	vsub.f32 v59, v50;
	v43 =	vmul.f32 v26, v26  }
0x11d: {  	v50 =	vmul.f32 v13, v13;
	v23 =	vadd.f32 v2, v5;
	v2 =	vsub.f32 v29, v26;
	v26 =	vld [tilespmem:s28+$0x6620]  }
0x11e: {  	v36 =	vld [tilespmem:s28+$0x6630];
	v5 =	vmul.f32 v12, v12;
	v29 =	vmul.f32 v27, v27;
	v24 =	vadd.f32 v43, v24  }
0x11f: {  	v38 =	vld [tilespmem:s28+$0x6640];
	v22 =	vmul.f32 v22, v6;
	v27 =	vsub.f32 v27, v30;
	v30 =	vmul.f32 v11, v11  }
0x120: {  	v1 =	vld [tilespmem:s28+$0x86D0];
	v29 =	vadd.f32 v44, v29;
	v5 =	vadd.f32 v24, v5;
	v24 =	vmul.f32 v28, v28  }
0x121: {  	v40 =	vld [tilespmem:s28+$0x6650];
	v35 =	vadd.f32 v47, v46;
	(erf) = vpow2.f32 v25;
	v30 =	vadd.f32 v45, v30  }
0x122: {  	v5 =	vadd.f32 v5, v21;
	v21 =	vadd.f32 v29, v24;
	v24 =	vmul.f32 v26, v26;
	v29 =	vld [tilespmem:s28+$0xA660]  }
0x123: {  	v42 =	vld [tilespmem:s28+$0x6660];
	v37 =	vadd.f32 v49, v48;
	v15 =	vmul.f32 v15, v36;
	v7 =	vmul.f32 v20, v7  }
0x124: {  	s29 =	simm.s32 $0x300;
	v5 =	vadd.f32 v21, v5;
	v21 =	vadd.f32 v30, v24;
	v24 =	vmul.f32 v36, v36;
	v30 =	vld [tilespmem:s28+$0xA670]  }
0x125: {  	v6 =	vld [tilespmem:s29+$0x8640];
	v39 =	vadd.f32 v51, v50;
	v2 =	vmul.f32 v2, v12;
	v9 =	vadd.f32 v7, v23  }
0x126: {  	v5 =	vadd.f32 v21, v5;
	v21 =	vadd.f32 v35, v24;
	v24 =	vmul.f32 v38, v38;
	v35 =	vld [tilespmem:s28+$0xA680]  }
0x127: {  	v44 =	vld [tilespmem:s28+$0x6670];
	v2 =	vadd.f32 $0.0e+00, v2;
	v0 =	vadd.f32 v0, v9;
	v53 =	vmul.f32 v29, v29  }
0x128: {  	v5 =	vadd.f32 v21, v5;
	v21 =	vadd.f32 v37, v24;
	v24 =	vmul.f32 v40, v40;
	v37 =	vld [tilespmem:s28+$0xA690]  }
0x129: {  	v46 =	vld [tilespmem:s28+$0x6680];
	v0 =	vadd.f32 v22, v0;
	v41 =	vadd.f32 v53, v52;
	v55 =	vmul.f32 v30, v30  }
0x12a: {  	v5 =	vadd.f32 v21, v5;
	v21 =	vadd.f32 v39, v24;
	v24 =	vmul.f32 v42, v42;
	v39 =	vld [tilespmem:s28+$0xA6A0]  }
0x12b: {  	[tilespmem:$0x1FF90] =	vst v3;
	v48 =	vld [tilespmem:s28+$0x6690];
	v3 =	vsub.f32 $0.0e+00, v0;
	v43 =	vadd.f32 v55, v54;
	v57 =	vmul.f32 v35, v35  }
0x12c: {  	v5 =	vadd.f32 v21, v5;
	v21 =	vadd.f32 v41, v24;
	v24 =	vmul.f32 v44, v44;
	v41 =	vld [tilespmem:s28+$0xA6B0]  }
0x12d: {  	v50 =	vld [tilespmem:s28+$0x66A0];
	v17 =	vsub.f32 v17, v35;
	v45 =	vadd.f32 v57, v56;
	v59 =	vmul.f32 v37, v37  }
0x12e: {  	v55 =	vld [tilespmem:s28+$0x66C0];
	v5 =	vadd.f32 v21, v5;
	v21 =	vadd.f32 v43, v24;
	v24 =	vmul.f32 v46, v46  }
0x12f: {  	v52 =	vld [tilespmem:s28+$0x66B0];
	v17 =	vmul.f32 v17, v46;
	v47 =	vadd.f32 v59, v58;
	v61 =	vmul.f32 v39, v39  }
0x130: {  	v53 =	vld [tilespmem:s28+$0x86E0];
	v5 =	vadd.f32 v21, v5;
	v21 =	vadd.f32 v45, v24;
	v24 =	vmul.f32 v48, v48  }
0x131: {  	v43 =	vld [tilespmem:s28+$0xA6C0];
	v46 =	vmul.f32 v6, v6;
	v49 =	vadd.f32 v61, v60;
	v54 =	vmul.f32 v41, v41  }
0x132: {  	v45 =	vld [tilespmem:s28+$0xA6D0];
	v5 =	vadd.f32 v21, v5;
	v21 =	vadd.f32 v47, v24;
	v24 =	vmul.f32 v50, v50  }
0x133: {  	v14 =	vsub.f32 v14, v39;
	v25 =	vmul.f32 v55, v55;
	v51 =	vadd.f32 v54, v62  }
0x134: {  	v47 =	vld [tilespmem:s28+$0xA6E0];
	v5 =	vadd.f32 v21, v5;
	v21 =	vadd.f32 v49, v24;
	v24 =	vmul.f32 v52, v52  }
0x135: {  	v29 =	vsub.f32 v19, v29;
	v58 =	vld [tilespmem:s28+$0x86F0];
	v60 =	vmul.f32 v1, v1;
	v14 =	vmul.f32 v14, v50  }
0x136: {  	v56 =	vmul.f32 v43, v43;
	v49 =	vld [tilespmem:s28+$0x66D0];
	v5 =	vadd.f32 v21, v5;
	v21 =	vadd.f32 v51, v24  }
0x137: {  	v10 =	vsub.f32 v10, v41;
	v62 =	vmul.f32 v53, v53;
	v57 =	vmul.f32 v45, v45;
	v24 =	vld [tilespmem:s28+$0xA6F0]  }
0x138: {  	v12 =	vld [tilespmem:s28+$0x66E0];
	v5 =	vadd.f32 v21, v5;
	v21 =	vmul.f32 v27, v28;
	v27 =	vsub.f32 v11, v31  }
0x139: {  	v10 =	vmul.f32 v10, v52;
	v54 =	vadd.f32 v56, v63;
	v63 =	vmul.f32 v47, v47  }
0x13a: {  	v61 =	vadd.f32 v57, v60;
	v11 =	vld [tilespmem:s28+$0x66F0];
	v21 =	vadd.f32 v21, v2;
	v26 =	vmul.f32 v27, v26  }
0x13b: {  	v19 =	vld [tilespmem:s29+$0x8690];
	v25 =	vadd.f32 v54, v25;
	v28 =	vmul.f32 v49, v49;
	v31 =	vadd.f32 v63, v62  }
0x13c: {  	v20 =	vld [tilespmem:s29+$0x8680];
	v27 =	vmul.f32 v58, v58;
	v60 =	vmul.f32 v24, v24;
	v21 =	vadd.f32 v26, v21  }
0x13d: {  	v13 =	vld [tilespmem:s29+$0x86B0];
	v25 =	vadd.f32 v25, v5;
	v26 =	vadd.f32 v61, v28;
	v28 =	vmul.f32 v12, v12  }
0x13e: {  	v5 =	vld [tilespmem:s29+$0x86D0];
	v61 =	vmul.f32 v34, v38;
	v27 =	vadd.f32 v60, v27;
	v21 =	vadd.f32 v15, v21  }
0x13f: {  	v33 =	vld [tilespmem:s29+$0xA630];
	v25 =	vadd.f32 v26, v25;
	v26 =	vadd.f32 v31, v28;
	v28 =	vmul.f32 v11, v11  }
0x140: {  	v9 =	vld [tilespmem:s29+$0x8630];
	v56 =	vmul.f32 v19, v19;
	v31 =	vmul.f32 v32, v40;
	v21 =	vadd.f32 v61, v21  }
0x141: {  	v54 =	vmul.f32 v20, v20;
	v63 =	vld [tilespmem:s29+$0xA610];
	v25 =	vadd.f32 v26, v25;
	v26 =	vadd.f32 v27, v28  }
0x142: {  	v27 =	vsub.f32 v18, v30;
	v28 =	vmul.f32 v29, v42;
	v29 =	vadd.f32 v31, v21  }
0x143: {  	v7 =	vld [tilespmem:s29+$0x8650];
	v60 =	vmul.f32 v13, v13;
	v34 =	vmul.f32 v5, v5;
	v23 =	vadd.f32 v26, v25  }
0x144: {  	v36 =	vld [tilespmem:s29+$0xA640];
	v25 =	vmul.f32 v27, v44;
	v27 =	vsub.f32 v16, v37;
	v26 =	vadd.f32 v28, v29  }
0x145: {  	v18 =	vld [tilespmem:s29+$0x8660];
	v31 =	vand.u32 $0x7FFFFFFF, v3;
	v44 =	vmul.f32 v9, v9;
	v9 =	vsub.f32 v9, v33  }
0x146: {  	v8 =	vld [tilespmem:s29+$0x86C0];
	v42 =	vmul.f32 v63, v63;
	v31 =	vsub.f32 $0.0e+00, v31;
	v25 =	vadd.f32 v25, v26  }
0x147: {  	v35 =	vld [tilespmem:s29+$0xA650];
	v28 =	vpop (erf);
	v22 =	vmul.f32 v27, v48;
	v27 =	vsub.f32 v4, v43;
	v29 =	vsub.f32 v1, v45  }
0x148: {  	v32 =	vld [tilespmem:s29+$0x8610];
	v45 =	vmul.f32 v33, v33;
	v26 =	vmul.f32 $6.999999880e-01, v28;
	v25 =	vadd.f32 v17, v25  }
0x149: {  	v30 =	vld [tilespmem:s29+$0x8600];
	v1 =	vsub.f32 v53, v47;
	v47 =	vmul.f32 v36, v36;
	v48 =	vmul.f32 v7, v7  }
0x14a: {  	v50 =	vmul.f32 v18, v18;
	v0 =	vsub.f32 $0.0e+00, v26;
	v22 =	vadd.f32 v22, v25;
	v25 =	vld [tilespmem:s29+$0xA600]  }
0x14b: {  	[tilespmem:$0x1FFB0] =	vst v3;
	v16 =	vld [tilespmem:s29+$0x8620];
	v3 =	vadd.f32 $1.000000000e+00, v28;
	v27 =	vmul.f32 v27, v55;
	v28 =	vmul.f32 $1.442695020e+00, v31  }
0x14c: {  	v37 =	vadd.f32 v45, v44;
	v17 =	vld [tilespmem:s29+$0x6600];
	v62 =	vmul.f32 $1.442695020e+00, v0;
	v22 =	vadd.f32 v14, v22  }
0x14d: {  	v39 =	vadd.f32 v47, v46;
	v1 =	vmul.f32 v1, v12;
	v14 =	vsub.f32 v58, v24;
	v24 =	vld [tilespmem:s29+$0xA620]  }
0x14e: {  	v0 =	vmul.f32 v29, v49;
	v29 =	vld [tilespmem:s29+$0x6610];
	(erf) = vpow2.f32 v62;
	v22 =	vadd.f32 v10, v22  }
0x14f: {  	v21 =	vld [tilespmem:s29+$0x8670];
	v10 =	vadd.f32 $-1.000000000e+00, v26;
	v26 =	vmul.f32 v30, v30;
	v31 =	vmul.f32 v25, v25  }
0x150: {  	v49 =	vmul.f32 v35, v35;
	(erf) = vpow2.f32 v28;
	v28 =	vld [tilespmem:s29+$0x6620];
	v22 =	vadd.f32 v27, v22  }
0x151: {  	v15 =	vld [tilespmem:s29+$0x86A0];
	v27 =	vmul.f32 v17, v17;
	v26 =	vadd.f32 v31, v26;
	v31 =	vmul.f32 v32, v32  }
0x152: {  	v38 =	vld [tilespmem:s29+$0x6630];
	v25 =	vsub.f32 v30, v25;
	v30 =	vmul.f32 v16, v16;
	v43 =	vmul.f32 v24, v24  }
0x153: {  	v2 =	vld [tilespmem:s29+$0x86E0];
	v26 =	vadd.f32 v26, v27;
	v27 =	vmul.f32 v29, v29;
	v31 =	vadd.f32 v42, v31  }
0x154: {  	v40 =	vld [tilespmem:s29+$0x6640];
	v52 =	vmul.f32 v21, v21;
	v41 =	vadd.f32 v49, v48;
	v30 =	vadd.f32 v43, v30  }
0x155: {  	v23 =	vadd.f32 v26, v23;
	v26 =	vadd.f32 v31, v27;
	v27 =	vmul.f32 v28, v28;
	v31 =	vld [tilespmem:s29+$0xA660]  }
0x156: {  	v58 =	vmul.f32 v15, v15;
	v11 =	vmul.f32 v14, v11;
	v32 =	vsub.f32 v32, v63;
	v42 =	vld [tilespmem:s29+$0x6650]  }
0x157: {  	v23 =	vadd.f32 v26, v23;
	v26 =	vadd.f32 v30, v27;
	v27 =	vmul.f32 v38, v38;
	v30 =	vld [tilespmem:s29+$0xA670]  }
0x158: {  	v44 =	vld [tilespmem:s29+$0x6660];
	v17 =	vmul.f32 v25, v17;
	v16 =	vsub.f32 v16, v24;
	v0 =	vadd.f32 v0, v22  }
0x159: {  	v23 =	vadd.f32 v26, v23;
	v26 =	vadd.f32 v37, v27;
	v27 =	vmul.f32 v40, v40;
	v37 =	vld [tilespmem:s29+$0xA680]  }
0x15a: {  	v46 =	vld [tilespmem:s29+$0x6670];
	v29 =	vmul.f32 v32, v29;
	v17 =	vadd.f32 $0.0e+00, v17;
	v51 =	vmul.f32 v31, v31  }
0x15b: {  	v23 =	vadd.f32 v26, v23;
	v26 =	vadd.f32 v39, v27;
	v27 =	vmul.f32 v42, v42;
	v39 =	vld [tilespmem:s29+$0xA690]  }
0x15c: {  	v48 =	vld [tilespmem:s29+$0x6680];
	v16 =	vmul.f32 v16, v28;
	v43 =	vadd.f32 v51, v50;
	v53 =	vmul.f32 v30, v30  }
0x15d: {  	v23 =	vadd.f32 v26, v23;
	v26 =	vadd.f32 v41, v27;
	v27 =	vmul.f32 v44, v44;
	v41 =	vld [tilespmem:s29+$0xA6A0]  }
0x15e: {  	v0 =	vadd.f32 v1, v0;
	v50 =	vld [tilespmem:s29+$0x6690];
	v45 =	vadd.f32 v53, v52;
	v55 =	vmul.f32 v37, v37  }
0x15f: {  	v23 =	vadd.f32 v26, v23;
	v26 =	vadd.f32 v43, v27;
	v27 =	vmul.f32 v46, v46;
	v43 =	vld [tilespmem:s29+$0xA6B0]  }
0x160: {  	v17 =	vadd.f32 v29, v17;
	v52 =	vld [tilespmem:s29+$0x66A0];
	v47 =	vadd.f32 v55, v54;
	v57 =	vmul.f32 v39, v39  }
0x161: {  	v54 =	vld [tilespmem:s29+$0x66B0];
	v23 =	vadd.f32 v26, v23;
	v26 =	vadd.f32 v45, v27;
	v27 =	vmul.f32 v48, v48  }
0x162: {  	v28 =	vsub.f32 v6, v36;
	v45 =	vld [tilespmem:s29+$0xA6C0];
	v49 =	vadd.f32 v57, v56;
	v59 =	vmul.f32 v41, v41  }
0x163: {  	v56 =	vld [tilespmem:s29+$0x66C0];
	v23 =	vadd.f32 v26, v23;
	v26 =	vadd.f32 v47, v27;
	v27 =	vmul.f32 v50, v50  }
0x164: {  	v11 =	vadd.f32 v11, v0;
	v47 =	vld [tilespmem:s29+$0xA6D0];
	v51 =	vadd.f32 v59, v58;
	v61 =	vmul.f32 v43, v43  }
0x165: {  	v58 =	vld [tilespmem:s29+$0x66D0];
	v23 =	vadd.f32 v26, v23;
	v26 =	vadd.f32 v49, v27;
	v27 =	vmul.f32 v52, v52  }
0x166: {  	v9 =	vmul.f32 v9, v38;
	v16 =	vadd.f32 v16, v17;
	v49 =	vld [tilespmem:s29+$0xA6E0];
	v53 =	vadd.f32 v61, v60  }
0x167: {  	v55 =	vmul.f32 v8, v8;
	v60 =	vld [tilespmem:s29+$0xA6F0];
	v23 =	vadd.f32 v26, v23;
	v26 =	vadd.f32 v51, v27  }
0x168: {  	v16 =	vadd.f32 v9, v16;
	v57 =	vmul.f32 v45, v45;
	v27 =	vmul.f32 v54, v54;
	v51 =	vld [tilespmem:s29+$0x86F0]  }
0x169: {  	v22 =	vsub.f32 v21, v30;
	v61 =	vld [tilespmem:s29+$0x66E0];
	v59 =	vmul.f32 v47, v47;
	v23 =	vadd.f32 v26, v23  }
0x16a: {  	v26 =	vadd.f32 v53, v27;
	v27 =	vmul.f32 v56, v56;
	v53 =	vadd.f32 v57, v55  }
0x16b: {  	v62 =	vld [tilespmem:s29+$0x66F0];
	v55 =	vmul.f32 v2, v2;
	v57 =	vmul.f32 v49, v49;
	v34 =	vadd.f32 v59, v34  }
0x16c: {  	v23 =	vadd.f32 v26, v23;
	v25 =	vadd.f32 v53, v27;
	v26 =	vmul.f32 v58, v58  }
0x16d: {  	v63 =	vmul.f32 v60, v60;
	v27 =	vadd.f32 v57, v55;
	v24 =	vmul.f32 v51, v51  }
0x16e: {  	s30 =	simm.s32 $0x400;
	v23 =	vadd.f32 v25, v23;
	v25 =	vadd.f32 v34, v26;
	v26 =	vmul.f32 v61, v61  }
0x16f: {  	v0 =	vld [tilespmem:s30+$0x8630];
	v20 =	vsub.f32 v20, v37;
	v22 =	vmul.f32 v22, v46;
	v24 =	vadd.f32 v63, v24  }
0x170: {  	v21 =	vld [tilespmem:s30+$0x8690];
	v17 =	vadd.f32 v25, v23;
	v23 =	vadd.f32 v27, v26;
	v25 =	vmul.f32 v62, v62  }
0x171: {  	v34 =	vld [tilespmem:s30+$0xA640];
	v26 =	vsub.f32 v7, v35;
	v27 =	vmul.f32 v28, v40;
	v28 =	vsub.f32 v13, v43  }
0x172: {  	v1 =	vmul.f32 v20, v48;
	v13 =	vld [tilespmem:s30+$0x8660];
	v12 =	vadd.f32 v23, v17;
	v23 =	vadd.f32 v24, v25  }
0x173: {  	v7 =	vld [tilespmem:s30+$0x86D0];
	v24 =	vsub.f32 v18, v31;
	v25 =	vmul.f32 v26, v42;
	v16 =	vadd.f32 v27, v16  }
0x174: {  	v20 =	vsub.f32 v8, v45;
	v40 =	vsub.f32 v51, v60;
	v28 =	vmul.f32 v28, v54  }
0x175: {  	v42 =	vmul.f32 v0, v0;
	v24 =	vmul.f32 v24, v44;
	v16 =	vadd.f32 v25, v16  }
0x176: {  	v27 =	vsub.f32 v15, v41;
	v15 =	vld [tilespmem:s30+$0x8670];
	v54 =	vmul.f32 v21, v21;
	v45 =	vmul.f32 v34, v34  }
0x177: {  	v14 =	vpop (erf);
	v25 =	vsub.f32 v19, v39;
	v19 =	vld [tilespmem:s30+$0x8680];
	v48 =	vmul.f32 v13, v13;
	v16 =	vadd.f32 v24, v16  }
0x178: {  	v18 =	vld [tilespmem:s30+$0x86A0];
	v12 =	vadd.f32 v23, v12;
	v63 =	vmul.f32 v7, v7;
	v23 =	vpop (erf);
	v24 =	vmul.f32 v14, v3  }
0x179: {  	v14 =	vld [tilespmem:s30+$0x8650];
	v26 =	vmul.f32 $6.999999880e-01, v23;
	v60 =	vadd.f32 $1.000000000e+00, v23;
	v8 =	vadd.f32 v22, v16  }
0x17a: {  	v17 =	vld [tilespmem:s30+$0x86B0];
	v16 =	vmul.f32 v25, v50;
	v22 =	vsub.f32 v5, v47;
	v25 =	vmul.f32 v27, v52  }
0x17b: {  	v23 =	vld [tilespmem:s30+$0xA620];
	v27 =	vsub.f32 v2, v49;
	v24 =	vadd.f32 v24, v10;
	v50 =	vmul.f32 v15, v15  }
0x17c: {  	v9 =	vld [tilespmem:s30+$0x86C0];
	v52 =	vmul.f32 v19, v19;
	v1 =	vadd.f32 v1, v8;
	v8 =	vsub.f32 $0.0e+00, v11  }
0x17d: {  	v5 =	vld [tilespmem:s30+$0x8640];
	v11 =	vmul.f32 v20, v56;
	v20 =	vsub.f32 $0.0e+00, v26;
	v29 =	vsub.f32 $0.0e+00, v24  }
0x17e: {  	v30 =	vld [tilespmem:s30+$0x8600];
	v56 =	vmul.f32 v18, v18;
	v46 =	vmul.f32 v14, v14;
	v1 =	vadd.f32 v16, v1  }
0x17f: {  	v31 =	vld [tilespmem:s30+$0xA600];
	v16 =	vmul.f32 v22, v58;
	v22 =	vand.u32 $0x7FFFFFFF, v8;
	v20 =	vmul.f32 $1.442695020e+00, v20  }
0x180: {  	v10 =	vld [tilespmem:s30+$0x6600];
	v41 =	vmul.f32 v23, v23;
	v58 =	vmul.f32 v17, v17;
	v1 =	vadd.f32 v25, v1  }
0x181: {  	v25 =	vsub.f32 $0.0e+00, v22;
	v22 =	vmul.f32 v27, v61;
	v27 =	vmul.f32 $1.442695020e+00, v29;
	v29 =	vld [tilespmem:s30+$0x8610]  }
0x182: {  	v44 =	vmul.f32 v5, v5;
	(erf) = vpow2.f32 v20;
	v20 =	vld [tilespmem:s30+$0xA610];
	v1 =	vadd.f32 v28, v1  }
0x183: {  	v2 =	vld [tilespmem:s30+$0x8620];
	v28 =	vmul.f32 $1.442695020e+00, v25;
	(erf) = vpow2.f32 v27  }
0x184: {  	v32 =	vld [tilespmem:s30+$0x6610];
	v27 =	vadd.f32 $-1.000000000e+00, v24;
	v24 =	vmul.f32 v31, v31;
	v1 =	vadd.f32 v11, v1  }
0x185: {  	v26 =	vadd.f32 $-1.000000000e+00, v26;
	(erf) = vpow2.f32 v28;
	v11 =	vmul.f32 v30, v30;
	v28 =	vld [tilespmem:s30+$0xA630]  }
0x186: {  	v33 =	vld [tilespmem:s30+$0x6620];
	v30 =	vsub.f32 v30, v31;
	v31 =	vmul.f32 v10, v10;
	v1 =	vadd.f32 v16, v1  }
0x187: {  	v6 =	vld [tilespmem:s30+$0x86E0];
	v11 =	vadd.f32 v24, v11;
	v16 =	vmul.f32 v29, v29;
	v24 =	vmul.f32 v20, v20  }
0x188: {  	v36 =	vld [tilespmem:s30+$0x6630];
	v61 =	vmul.f32 v9, v9;
	v20 =	vsub.f32 v29, v20;
	v29 =	vmul.f32 v2, v2  }
0x189: {  	v11 =	vadd.f32 v11, v31;
	v31 =	vmul.f32 v32, v32;
	v16 =	vadd.f32 v24, v16;
	v24 =	vld [tilespmem:s30+$0xA650]  }
0x18a: {  	v38 =	vld [tilespmem:s30+$0x6640];
	v37 =	vadd.f32 v45, v44;
	v29 =	vadd.f32 v41, v29;
	v43 =	vmul.f32 v28, v28  }
0x18b: {  	v11 =	vadd.f32 v11, v12;
	v12 =	vadd.f32 v16, v31;
	v16 =	vmul.f32 v33, v33;
	v31 =	vld [tilespmem:s30+$0xA660]  }
0x18c: {  	v25 =	vmul.f32 v40, v62;
	v40 =	vld [tilespmem:s30+$0x6650];
	v10 =	vmul.f32 v30, v10;
	v35 =	vadd.f32 v43, v42  }
0x18d: {  	v11 =	vadd.f32 v12, v11;
	v12 =	vadd.f32 v29, v16;
	v16 =	vmul.f32 v36, v36;
	v29 =	vld [tilespmem:s30+$0xA670]  }
0x18e: {  	v2 =	vsub.f32 v2, v23;
	v20 =	vmul.f32 v20, v32;
	v42 =	vld [tilespmem:s30+$0x6660];
	v47 =	vmul.f32 v24, v24  }
0x18f: {  	v11 =	vadd.f32 v12, v11;
	v12 =	vadd.f32 v35, v16;
	v16 =	vmul.f32 v38, v38;
	v35 =	vld [tilespmem:s30+$0xA680]  }
0x190: {  	v44 =	vld [tilespmem:s30+$0x6670];
	v10 =	vadd.f32 $0.0e+00, v10;
	v39 =	vadd.f32 v47, v46;
	v49 =	vmul.f32 v31, v31  }
0x191: {  	v11 =	vadd.f32 v12, v11;
	v12 =	vadd.f32 v37, v16;
	v16 =	vmul.f32 v40, v40;
	v37 =	vld [tilespmem:s30+$0xA690]  }
0x192: {  	v2 =	vmul.f32 v2, v33;
	v46 =	vld [tilespmem:s30+$0x6680];
	v41 =	vadd.f32 v49, v48;
	v51 =	vmul.f32 v29, v29  }
0x193: {  	v11 =	vadd.f32 v12, v11;
	v12 =	vadd.f32 v39, v16;
	v16 =	vmul.f32 v42, v42;
	v39 =	vld [tilespmem:s30+$0xA6A0]  }
0x194: {  	v1 =	vadd.f32 v22, v1;
	v48 =	vld [tilespmem:s30+$0x6690];
	v43 =	vadd.f32 v51, v50;
	v53 =	vmul.f32 v35, v35  }
0x195: {  	v11 =	vadd.f32 v12, v11;
	v12 =	vadd.f32 v41, v16;
	v16 =	vmul.f32 v44, v44;
	v41 =	vld [tilespmem:s30+$0xA6B0]  }
0x196: {  	v0 =	vsub.f32 v0, v28;
	v50 =	vld [tilespmem:s30+$0x66A0];
	v45 =	vadd.f32 v53, v52;
	v55 =	vmul.f32 v37, v37  }
0x197: {  	v11 =	vadd.f32 v12, v11;
	v12 =	vadd.f32 v43, v16;
	v16 =	vmul.f32 v46, v46;
	v43 =	vld [tilespmem:s30+$0xA6C0]  }
0x198: {  	v20 =	vadd.f32 v20, v10;
	v52 =	vld [tilespmem:s30+$0x66B0];
	v47 =	vadd.f32 v55, v54;
	v57 =	vmul.f32 v39, v39  }
0x199: {  	v11 =	vadd.f32 v12, v11;
	v12 =	vadd.f32 v45, v16;
	v16 =	vmul.f32 v48, v48;
	v45 =	vld [tilespmem:s30+$0xA6D0]  }
0x19a: {  	v0 =	vmul.f32 v0, v36;
	v54 =	vld [tilespmem:s30+$0x66C0];
	v49 =	vadd.f32 v57, v56;
	v59 =	vmul.f32 v41, v41  }
0x19b: {  	v11 =	vadd.f32 v12, v11;
	v12 =	vadd.f32 v47, v16;
	v16 =	vmul.f32 v50, v50;
	v47 =	vld [tilespmem:s30+$0xA6E0]  }
0x19c: {  	v2 =	vadd.f32 v2, v20;
	v57 =	vld [tilespmem:s30+$0x66D0];
	v51 =	vadd.f32 v59, v58;
	v62 =	vmul.f32 v43, v43  }
0x19d: {  	v55 =	vld [tilespmem:s30+$0x86F0];
	v11 =	vadd.f32 v12, v11;
	v12 =	vadd.f32 v49, v16;
	v16 =	vmul.f32 v52, v52  }
0x19e: {  	v36 =	vsub.f32 v14, v24;
	v58 =	vld [tilespmem:s30+$0x66E0];
	v49 =	vadd.f32 v62, v61;
	v61 =	vmul.f32 v45, v45  }
0x19f: {  	v59 =	vld [tilespmem:s30+$0xA6F0];
	v11 =	vadd.f32 v12, v11;
	v12 =	vadd.f32 v51, v16;
	v16 =	vmul.f32 v54, v54  }
0x1a0: {  	v62 =	vmul.f32 v6, v6;
	v51 =	vadd.f32 v61, v63;
	v63 =	vmul.f32 v47, v47  }
0x1a1: {  	v61 =	vld [tilespmem:s30+$0x66F0];
	v11 =	vadd.f32 v12, v11;
	v12 =	vadd.f32 v49, v16;
	v16 =	vmul.f32 v57, v57  }
0x1a2: {  	v28 =	vpop (erf);
	v0 =	vadd.f32 v0, v2;
	v30 =	vadd.f32 v63, v62  }
0x1a3: {  	v20 =	vpop (erf);
	v11 =	vadd.f32 v12, v11;
	v12 =	vadd.f32 v51, v16;
	v16 =	vmul.f32 v58, v58  }
0x1a4: {  	s31 =	simm.s32 $0x500;
	v4 =	vpop (erf);
	v2 =	vsub.f32 v13, v31;
	v56 =	vmul.f32 v55, v55;
	v23 =	vmul.f32 v59, v59  }
0x1a5: {  	v22 =	vld [tilespmem:s31+$0x8650];
	v24 =	vmul.f32 $6.999999880e-01, v4;
	v16 =	vadd.f32 v30, v16;
	v30 =	vsub.f32 v5, v34  }
0x1a6: {  	v1 =	vadd.f32 v25, v1;
	v25 =	vld [tilespmem:s31+$0x8630];
	v23 =	vadd.f32 v23, v56;
	v62 =	vmul.f32 v61, v61  }
0x1a7: {  	v33 =	vld [tilespmem:s31+$0xA640];
	v2 =	vmul.f32 v2, v42;
	v42 =	vsub.f32 $0.0e+00, v24;
	v30 =	vmul.f32 v30, v38  }
0x1a8: {  	v14 =	vld [tilespmem:s31+$0x86C0];
	v31 =	vsub.f32 v18, v39;
	v32 =	vadd.f32 v23, v62  }
0x1a9: {  	v13 =	vld [tilespmem:s31+$0x86A0];
	v23 =	vsub.f32 v15, v29;
	v29 =	vmul.f32 v36, v40;
	v0 =	vadd.f32 v30, v0  }
0x1aa: {  	v28 =	vmul.f32 v28, v60;
	v19 =	vsub.f32 v19, v35;
	v18 =	vld [tilespmem:s31+$0x8680];
	v17 =	vsub.f32 v17, v41  }
0x1ab: {  	v31 =	vmul.f32 v31, v50;
	v12 =	vadd.f32 v12, v11;
	v11 =	vld [tilespmem:s31+$0x86E0];
	v0 =	vadd.f32 v29, v0  }
0x1ac: {  	v7 =	vsub.f32 v7, v45;
	v40 =	vsub.f32 v9, v43;
	v9 =	vmul.f32 v23, v44;
	v44 =	vld [tilespmem:s31+$0xA600]  }
0x1ad: {  	v41 =	vsub.f32 v55, v59;
	v56 =	vmul.f32 v25, v25;
	v23 =	vld [tilespmem:s31+$0x8640];
	v0 =	vadd.f32 v2, v0  }
0x1ae: {  	v34 =	vld [tilespmem:s31+$0x6630];
	v63 =	vadd.f32 v16, v12;
	v43 =	vmul.f32 v17, v52;
	v30 =	vsub.f32 v21, v37  }
0x1af: {  	v12 =	vld [tilespmem:s31+$0x86D0];
	v29 =	vmul.f32 v20, v3;
	v2 =	vmul.f32 v19, v46;
	v0 =	vadd.f32 v9, v0  }
0x1b0: {  	v16 =	vld [tilespmem:s31+$0x86B0];
	v30 =	vmul.f32 v30, v48;
	v19 =	vsub.f32 v6, v47;
	v6 =	vmul.f32 v7, v57  }
0x1b1: {  	v15 =	vld [tilespmem:s31+$0x8690];
	v49 =	vmul.f32 v44, v44;
	v9 =	vadd.f32 v28, v26;
	v17 =	vadd.f32 v2, v0  }
0x1b2: {  	[tilespmem:$0x1FF70] =	vst v3;
	v5 =	vmovc v60;
	v3 =	vld [tilespmem:s31+$0x8620];
	v60 =	vmul.f32 v23, v23;
	v26 =	vsub.f32 $0.0e+00, v1;
	v1 =	vadd.f32 v29, v27  }
0x1b3: {  	v46 =	vld [tilespmem:s31+$0x8610];
	v28 =	vmul.f32 v40, v54;
	v27 =	vsub.f32 $0.0e+00, v9;
	v7 =	vadd.f32 v30, v17  }
0x1b4: {  	v29 =	vld [tilespmem:s31+$0x8600];
	v17 =	vmul.f32 v19, v58;
	v19 =	vmul.f32 $1.442695020e+00, v42;
	v30 =	vsub.f32 $0.0e+00, v1  }
0x1b5: {  	v47 =	vld [tilespmem:s31+$0xA610];
	v45 =	vand.u32 $0x7FFFFFFF, v26;
	v27 =	vmul.f32 $1.442695020e+00, v27;
	v7 =	vadd.f32 v31, v7  }
0x1b6: {  	v2 =	vld [tilespmem:s31+$0x6600];
	(erf) = vpow2.f32 v19;
	v31 =	vsub.f32 $0.0e+00, v45;
	v30 =	vmul.f32 $1.442695020e+00, v30  }
0x1b7: {  	v53 =	vmul.f32 v3, v3;
	(erf) = vpow2.f32 v27;
	v48 =	vadd.f32 v43, v7;
	v7 =	vld [tilespmem:s31+$0xA620]  }
0x1b8: {  	v31 =	vmul.f32 $1.442695020e+00, v31;
	(erf) = vpow2.f32 v30;
	v30 =	vld [tilespmem:s31+$0x6610]  }
0x1b9: {  	v0 =	vmul.f32 v41, v61;
	v27 =	vld [tilespmem:s31+$0xA630];
	v35 =	vadd.f32 v28, v48;
	v28 =	vmul.f32 v29, v29  }
0x1ba: {  	v51 =	vmul.f32 v46, v46;
	(erf) = vpow2.f32 v31;
	v31 =	vld [tilespmem:s31+$0x6620]  }
0x1bb: {  	v36 =	vld [tilespmem:s31+$0xA650];
	v52 =	vmul.f32 v47, v47;
	v50 =	vmul.f32 v2, v2;
	v28 =	vadd.f32 v49, v28  }
0x1bc: {  	v38 =	vld [tilespmem:s31+$0xA660];
	v32 =	vadd.f32 v32, v63;
	v61 =	vmul.f32 v33, v33;
	v54 =	vmul.f32 v7, v7  }
0x1bd: {  	v21 =	vld [tilespmem:s31+$0x8660];
	v39 =	vadd.f32 v52, v51;
	v55 =	vmul.f32 v30, v30;
	v28 =	vadd.f32 v28, v50  }
0x1be: {  	v37 =	vld [tilespmem:s31+$0x6640];
	v52 =	vadd.f32 v61, v60;
	v57 =	vmul.f32 v27, v27;
	v41 =	vadd.f32 v54, v53  }
0x1bf: {  	v20 =	vld [tilespmem:s31+$0x8670];
	v58 =	vadd.f32 v39, v55;
	v59 =	vmul.f32 v31, v31;
	v28 =	vadd.f32 v28, v32  }
0x1c0: {  	v40 =	vld [tilespmem:s31+$0x6650];
	v29 =	vsub.f32 v29, v44;
	v44 =	vadd.f32 v57, v56  }
0x1c1: {  	v63 =	vmul.f32 v34, v34;
	v42 =	vld [tilespmem:s31+$0x6660];
	v62 =	vadd.f32 v41, v59;
	v28 =	vadd.f32 v58, v28  }
0x1c2: {  	v43 =	vsub.f32 v46, v47;
	v53 =	vmul.f32 v22, v22;
	v54 =	vmul.f32 v36, v36;
	v41 =	vld [tilespmem:s31+$0xA670]  }
0x1c3: {  	v45 =	vld [tilespmem:s31+$0xA680];
	v56 =	vmul.f32 v37, v37;
	v55 =	vadd.f32 v44, v63;
	v28 =	vadd.f32 v62, v28  }
0x1c4: {  	v57 =	vmul.f32 v21, v21;
	v44 =	vld [tilespmem:s31+$0x6670];
	v48 =	vadd.f32 v54, v53;
	v58 =	vmul.f32 v38, v38  }
0x1c5: {  	v60 =	vmul.f32 v40, v40;
	v47 =	vld [tilespmem:s31+$0xA690];
	v59 =	vadd.f32 v52, v56;
	v28 =	vadd.f32 v55, v28  }
0x1c6: {  	v61 =	vmul.f32 v20, v20;
	v46 =	vld [tilespmem:s31+$0x6680];
	v50 =	vadd.f32 v58, v57;
	v57 =	vmul.f32 v42, v42  }
0x1c7: {  	v49 =	vld [tilespmem:s31+$0xA6A0];
	v63 =	vadd.f32 v48, v60;
	v62 =	vmul.f32 v41, v41;
	v28 =	vadd.f32 v59, v28  }
0x1c8: {  	v48 =	vld [tilespmem:s31+$0x6690];
	v58 =	vmul.f32 v18, v18;
	v60 =	vadd.f32 v50, v57;
	v59 =	vmul.f32 v45, v45  }
0x1c9: {  	v51 =	vld [tilespmem:s31+$0xA6B0];
	v52 =	vadd.f32 v62, v61;
	v61 =	vmul.f32 v44, v44;
	v28 =	vadd.f32 v63, v28  }
0x1ca: {  	v50 =	vld [tilespmem:s31+$0x66A0];
	v62 =	vmul.f32 v15, v15;
	v54 =	vadd.f32 v59, v58;
	v63 =	vmul.f32 v47, v47  }
0x1cb: {  	v53 =	vld [tilespmem:s31+$0xA6C0];
	v28 =	vadd.f32 v60, v28;
	v60 =	vadd.f32 v52, v61;
	v61 =	vmul.f32 v46, v46  }
0x1cc: {  	v55 =	vadd.f32 v63, v62;
	v62 =	vmul.f32 v13, v13;
	v63 =	vmul.f32 v49, v49;
	v52 =	vld [tilespmem:s31+$0x66B0]  }
0x1cd: {  	v32 =	vadd.f32 v60, v28;
	v39 =	vadd.f32 v54, v61;
	v60 =	vmul.f32 v48, v48;
	v28 =	vld [tilespmem:s31+$0xA6D0]  }
0x1ce: {  	v56 =	vadd.f32 v63, v62;
	v61 =	vmul.f32 v16, v16;
	v62 =	vmul.f32 v51, v51;
	v54 =	vld [tilespmem:s31+$0x66C0]  }
0x1cf: {  	v57 =	vld [tilespmem:s31+$0x66D0];
	v58 =	vmul.f32 v50, v50;
	v39 =	vadd.f32 v39, v32;
	v55 =	vadd.f32 v55, v60  }
0x1d0: {  	v32 =	vld [tilespmem:s31+$0xA6E0];
	v59 =	vadd.f32 v62, v61;
	v60 =	vmul.f32 v14, v14;
	v61 =	vmul.f32 v53, v53  }
0x1d1: {  	v56 =	vadd.f32 v56, v58;
	v62 =	vmul.f32 v52, v52;
	v39 =	vadd.f32 v55, v39  }
0x1d2: {  	v58 =	vld [tilespmem:s31+$0x66E0];
	v60 =	vadd.f32 v61, v60;
	v61 =	vmul.f32 v12, v12;
	v63 =	vmul.f32 v28, v28  }
0x1d3: {  	v39 =	vadd.f32 v56, v39;
	v56 =	vadd.f32 v59, v62;
	v59 =	vmul.f32 v54, v54  }
0x1d4: {  	v62 =	vmul.f32 v11, v11;
	v61 =	vadd.f32 v63, v61  }
0x1d5: {  	v10 =	vld [tilespmem:s31+$0x86F0];
	v63 =	vmul.f32 v32, v32;
	v59 =	vadd.f32 v60, v59;
	v60 =	vmul.f32 v57, v57  }
0x1d6: {  	v55 =	vld [tilespmem:s31+$0xA6F0];
	v39 =	vadd.f32 v56, v39  }
0x1d7: {  	v62 =	vadd.f32 v63, v62;
	v60 =	vadd.f32 v61, v60;
	v61 =	vmul.f32 v58, v58  }
0x1d8: {  	v56 =	vld [tilespmem:s31+$0x66F0];
	v59 =	vadd.f32 v59, v39;
	v39 =	vadd.f32 v6, v35  }
0x1d9: {  	v6 =	vmul.f32 v43, v30;
	v30 =	vadd.f32 v62, v61;
	v62 =	vadd.f32 $1.000000000e+00, v4;
	v4 =	vld [tilespmem:$0x1FFB0];
	_ =	sdelay $0x1  }
0x1da: {  	[tilespmem:$0x1FF80] =	vst v0;
	v63 =	vmul.f32 v10, v10;
	v0 =	vmul.f32 v55, v55;
	v35 =	vsub.f32 v3, v7;
	v3 =	vld [tilespmem:$0x1FF90]  }
0x1db: {  	v2 =	vmul.f32 v29, v2  }
0x1dc: {  	v0 =	vadd.f32 v0, v63;
	v63 =	vmul.f32 v56, v56  }
0x1dd: {  	v2 =	vadd.f32 $0.0e+00, v2;
	v4 =	vmax.f32 v4, $0.0e+00  }
0x1de: {  	v29 =	vadd.f32 v60, v59;
	v59 =	vpop (erf);
	[tilespmem:$0x1FFC0] =	vst v4;
	v4 =	vadd.f32 v0, v63;
	v0 =	vmax.f32 v8, $0.0e+00  }
0x1df: {  	v2 =	vadd.f32 v6, v2;
	v3 =	vmax.f32 v3, $0.0e+00;
	v61 =	vpop (erf);
	[tilespmem:$0x1FFD0] =	vst v0;
	v0 =	vadd.f32 $-1.000000000e+00, v1  }
0x1e0: {  	[tilespmem:$0x1FFA0] =	vst v3;
	v3 =	vadd.f32 v30, v29;
	v29 =	vadd.f32 $-1.000000000e+00, v9;
	v9 =	vpop (erf)  }
0x1e1: {  	s23 =	simm.s32 $0x1800;
	v6 =	vmul.f32 v35, v31;
	v30 =	vadd.f32 $-1.000000000e+00, v24;
	v43 =	vpop (erf);
	[tilespmem:$0x1FFE0] =	vst v0;
	v0 =	vmax.f32 v26, $0.0e+00  }
0x1e2: {  	s24 =	simm.s32 $0x2000;
	s22 =	simm.s32 $0x1C00;
	v60 =	vmul.f32 $6.999999880e-01, v43;
	v26 =	vsub.f32 v25, v27;
	[tilespmem:$0x1FFF0] =	vst v0;
	v0 =	vmul.f32 v59, v62  }
.LBB2_4:
0x1e3: {  	v1 =	vsub.f32 v23, v33  }
0x1e4: {  	v22 =	vsub.f32 v22, v36;
	v2 =	vadd.f32 v6, v2;
	v6 =	vmul.f32 v26, v34  }
0x1e5: {  	v21 =	vsub.f32 v21, v38;
	v20 =	vsub.f32 v20, v41  }
0x1e6: {  	v18 =	vsub.f32 v18, v45;
	v1 =	vmul.f32 v1, v37;
	v2 =	vadd.f32 v6, v2  }
0x1e7: {  	s25 =	sshra.s32 s23, $0x2;
	v15 =	vsub.f32 v15, v47;
	v14 =	vsub.f32 v14, v53  }
0x1e8: {  	v7 =	vsub.f32 v12, v28;
	v24 =	vld [tilespmem:s25+$0x86F0];
	v6 =	vmul.f32 v22, v40;
	v1 =	vadd.f32 v1, v2  }
0x1e9: {  	v27 =	vadd.f32 v17, v39;
	v4 =	vadd.f32 v4, v3;
	v3 =	vmul.f32 v61, v5;
	v25 =	vld [tilespmem:s25+$0x86E0]  }
0x1ea: {  	v26 =	vld [tilespmem:s25+$0x86D0];
	v21 =	vmul.f32 v21, v42;
	v2 =	vmul.f32 v18, v46;
	v1 =	vadd.f32 v6, v1  }
0x1eb: {  	v31 =	vld [tilespmem:s25+$0x86C0];
	v46 =	vmul.f32 v15, v48;
	v48 =	vmul.f32 v7, v57;
	v7 =	vsub.f32 v10, v55  }
0x1ec: {  	v59 =	vld [tilespmem:s25+$0x86B0];
	v35 =	vsub.f32 $0.0e+00, v60;
	v23 =	vmul.f32 v20, v44;
	v1 =	vadd.f32 v21, v1  }
0x1ed: {  	v0 =	vadd.f32 v0, v30;
	v18 =	vsub.f32 v13, v49;
	v49 =	vmul.f32 v7, v56;
	v7 =	vld [tilespmem:$0x1FF80]  }
0x1ee: {  	v45 =	vld [tilespmem:s25+$0xA610];
	v3 =	vadd.f32 v3, v29;
	v1 =	vadd.f32 v23, v1  }
0x1ef: {  	v63 =	vld [tilespmem:s25+$0xA630];
	v47 =	vmul.f32 v14, v54;
	v54 =	vsub.f32 $0.0e+00, v0;
	v29 =	vadd.f32 $-1.000000000e+00, v0  }
0x1f0: {  	v53 =	vmul.f32 $1.442695020e+00, v35;
	v0 =	vsub.f32 $0.0e+00, v3;
	v1 =	vadd.f32 v2, v1;
	v2 =	vld [tilespmem:$0x1FF70]  }
0x1f1: {  	v16 =	vsub.f32 v16, v51;
	v34 =	vld [tilespmem:s25+$0x6630];
	v33 =	vmul.f32 $1.442695020e+00, v54  }
0x1f2: {  	v36 =	vld [tilespmem:s25+$0xA650];
	(erf) = vpow2.f32 v53;
	v0 =	vmul.f32 $1.442695020e+00, v0;
	v51 =	vadd.f32 v7, v27;
	v7 =	vmovc v5  }
0x1f3: {  	(erf) = vpow2.f32 v33;
	[tilespmem:$0x1FF70] =	vst v7;
	v7 =	vld [tilespmem:$0x1FFE0]  }
0x1f4: {  	v8 =	vsub.f32 v11, v32;
	v38 =	vld [tilespmem:s25+$0xA660];
	v6 =	vmul.f32 v18, v50;
	(erf) = vpow2.f32 v0  }
0x1f5: {  	v0 =	vld [tilespmem:$0x1FFA0];
	v1 =	vadd.f32 v46, v1;
	v2 =	vmul.f32 v9, v2;
	v9 =	vsub.f32 $0.0e+00, v51  }
0x1f6: {  	v41 =	vld [tilespmem:s25+$0xA670];
	v28 =	vmul.f32 v16, v52  }
0x1f7: {  	v52 =	vadd.f32 $-1.000000000e+00, v60;
	v60 =	vld [tilespmem:s25+$0x6600];
	v1 =	vadd.f32 v6, v1;
	v56 =	vand.u32 $0x7FFFFFFF, v9  }
0x1f8: {  	v19 =	vmul.f32 v8, v58;
	v58 =	vld [tilespmem:s25+$0x8610];
	v2 =	vadd.f32 v2, v7;
	v6 =	vsub.f32 $0.0e+00, v56  }
0x1f9: {  	v42 =	vld [tilespmem:s25+$0x6660];
	v8 =	vmov v49  }
0x1fa: {  	[tilespmem:$0x1FF80] =	vst v8;
	v8 =	vmul.f32 $1.442695020e+00, v6;
	v6 =	vmax.f32 v9, $0.0e+00;
	v9 =	vadd.f32 v2, v0;
	v0 =	vld [tilespmem:$0x1FFC0]  }
0x1fb: {  	v22 =	vld [tilespmem:s25+$0x8650]  }
0x1fc: {  	v35 =	vld [tilespmem:s25+$0x8620]  }
0x1fd: {  	v55 =	vld [tilespmem:s25+$0x8600]  }
0x1fe: {  	v57 =	vld [tilespmem:s25+$0xA600];
	v1 =	vadd.f32 v28, v1  }
0x1ff: {  	v7 =	vmov v0;
	v0 =	vld [tilespmem:$0x1FFD0]  }
0x200: {  	[tilespmem:$0x1FFA0] =	vst v7;
	v7 =	vadd.f32 v47, v1;
	v1 =	vld [tilespmem:$0x1FFF0]  }
0x201: {  	v5 =	vmov v62;
	v62 =	vld [tilespmem:s25+$0xA620]  }
0x202: {  	v39 =	vadd.f32 v48, v7;
	v7 =	vld [tilespmem:$0x1FF60]  }
0x203: {  	v14 =	vmov v31;
	v53 =	vmul.f32 v63, v63;
	v32 =	vmul.f32 v42, v42;
	v27 =	vld [tilespmem:s25+$0x8630]  }
0x204: {  	v31 =	vmul.f32 v31, v14;
	v46 =	vmul.f32 v60, v60;
	v2 =	vmov v0;
	v0 =	vld [tilespmem:s25+$0x6610]  }
0x205: {  	v44 =	vadd.f32 $-1.000000000e+00, v3;
	v33 =	vld [tilespmem:s25+$0xA640];
	v28 =	vmul.f32 v57, v57;
	v3 =	vmovc v1;
	v1 =	vmovc v6;
	v6 =	vmul.f32 v55, v55  }
0x206: {  	v50 =	vadd.f32 $1.000000000e+00, v43;
	v49 =	vmul.f32 v62, v62;
	v47 =	vmul.f32 v45, v45;
	[tilespmem:$0x1FFF0] =	vst v1;
	v1 =	vld [tilespmem:s25+$0x6620]  }
0x207: {  	v23 =	vld [tilespmem:s25+$0x8640];
	v7 =	vadd.f32 v9, v7;
	v9 =	vadd.f32 v28, v6;
	v28 =	vmul.f32 v58, v58  }
0x208: {  	v20 =	vld [tilespmem:s25+$0x8670];
	v30 =	vmovc v52;
	v17 =	vmov v50;
	v52 =	vmul.f32 v27, v27;
	v48 =	vmul.f32 v35, v35  }
0x209: {  	v37 =	vld [tilespmem:s25+$0x6640];
	[tilespmem:$0x1FF60] =	vst v7;
	v7 =	vadd.f32 v9, v46;
	v50 =	vmul.f32 v0, v0;
	v28 =	vadd.f32 v47, v28  }
0x20a: {  	v40 =	vld [tilespmem:s25+$0x6650];
	v54 =	vadd.f32 v53, v52;
	v52 =	vmul.f32 v22, v22;
	v51 =	vadd.f32 v49, v48  }
0x20b: {  	v21 =	vld [tilespmem:s25+$0x8660];
	v4 =	vadd.f32 v7, v4;
	v28 =	vadd.f32 v28, v50;
	v7 =	vmul.f32 v1, v1  }
0x20c: {  	v13 =	vld [tilespmem:s25+$0x86A0];
	v56 =	vmul.f32 v33, v33;
	[tilespmem:$0x1FFD0] =	vst v3;
	v3 =	vsub.f32 v55, v57;
	v55 =	vmul.f32 v23, v23  }
0x20d: {  	v15 =	vld [tilespmem:s25+$0x8690];
	v57 =	vmul.f32 v34, v34;
	v4 =	vadd.f32 v28, v4;
	v28 =	vadd.f32 v51, v7  }
0x20e: {  	v18 =	vld [tilespmem:s25+$0x8680];
	v53 =	vmul.f32 v36, v36;
	v6 =	vsub.f32 v58, v45;
	v58 =	vadd.f32 v56, v55  }
0x20f: {  	v45 =	vld [tilespmem:s25+$0xA680];
	v4 =	vadd.f32 v28, v4;
	v28 =	vadd.f32 v54, v57;
	v54 =	vmul.f32 v37, v37  }
0x210: {  	[tilespmem:$0x1FFE0] =	vst v44;
	v44 =	vld [tilespmem:s25+$0x6670];
	v48 =	vadd.f32 v53, v52;
	v55 =	vmul.f32 v21, v21;
	v56 =	vmul.f32 v38, v38  }
0x211: {  	v47 =	vld [tilespmem:s25+$0xA690];
	v57 =	vmul.f32 v40, v40;
	v4 =	vadd.f32 v28, v4;
	v28 =	vadd.f32 v58, v54  }
0x212: {  	v12 =	vmovc v26;
	v46 =	vld [tilespmem:s25+$0x6680];
	v50 =	vadd.f32 v56, v55;
	v56 =	vmul.f32 v41, v41;
	v58 =	vmul.f32 v20, v20  }
0x213: {  	v26 =	vmul.f32 v26, v12;
	v49 =	vld [tilespmem:s25+$0xA6A0];
	v4 =	vadd.f32 v28, v4;
	v28 =	vadd.f32 v48, v57  }
0x214: {  	v52 =	vadd.f32 v56, v58;
	v57 =	vmul.f32 v18, v18;
	v58 =	vmul.f32 v45, v45;
	v48 =	vld [tilespmem:s25+$0x6690]  }
0x215: {  	v51 =	vld [tilespmem:s25+$0xA6B0];
	v4 =	vadd.f32 v28, v4;
	v28 =	vadd.f32 v50, v32;
	v32 =	vmul.f32 v44, v44  }
0x216: {  	v55 =	vmul.f32 v15, v15;
	v56 =	vmul.f32 v47, v47;
	v54 =	vadd.f32 v58, v57;
	v50 =	vld [tilespmem:s25+$0x66A0]  }
0x217: {  	v53 =	vld [tilespmem:s25+$0xA6C0];
	v4 =	vadd.f32 v28, v4;
	v28 =	vadd.f32 v52, v32;
	v32 =	vmul.f32 v46, v46  }
0x218: {  	v55 =	vadd.f32 v56, v55;
	v56 =	vmul.f32 v13, v13;
	v57 =	vmul.f32 v49, v49;
	v52 =	vld [tilespmem:s25+$0x66B0]  }
0x219: {  	v16 =	vmovc v59;
	v58 =	vmul.f32 v48, v48;
	v4 =	vadd.f32 v28, v4;
	v32 =	vadd.f32 v54, v32;
	v28 =	vld [tilespmem:s25+$0xA6D0]  }
0x21a: {  	v56 =	vadd.f32 v57, v56;
	v57 =	vmul.f32 v59, v16;
	v59 =	vmul.f32 v51, v51;
	v54 =	vld [tilespmem:s25+$0x66C0]  }
0x21b: {  	v55 =	vadd.f32 v55, v58;
	v58 =	vmul.f32 v50, v50;
	v4 =	vadd.f32 v32, v4;
	v32 =	vld [tilespmem:s25+$0xA6E0]  }
0x21c: {  	(erf) = vpow2.f32 v8;
	v7 =	vmul.f32 v53, v53;
	v59 =	vadd.f32 v59, v57;
	v57 =	vld [tilespmem:s25+$0x66D0]  }
0x21d: {  	v11 =	vmovc v25;
	v56 =	vadd.f32 v56, v58;
	v8 =	vmul.f32 v52, v52;
	v4 =	vadd.f32 v55, v4;
	v55 =	vld [tilespmem:s25+$0xA6F0]  }
0x21e: {  	v25 =	vmul.f32 v25, v11;
	v7 =	vadd.f32 v7, v31;
	v58 =	vld [tilespmem:s25+$0x66E0];
	v31 =	vmul.f32 v28, v28  }
0x21f: {  	v10 =	vmovc v24;
	v8 =	vadd.f32 v59, v8;
	v59 =	vmul.f32 v54, v54;
	v4 =	vadd.f32 v56, v4  }
0x220: {  	v24 =	vmul.f32 v24, v10;
	v56 =	vld [tilespmem:s25+$0x66F0];
	v26 =	vadd.f32 v31, v26;
	v31 =	vmul.f32 v32, v32  }
0x221: {  	v7 =	vadd.f32 v7, v59;
	v4 =	vadd.f32 v8, v4;
	v8 =	vmul.f32 v57, v57  }
0x222: {  	v3 =	vmul.f32 v3, v60;
	v25 =	vadd.f32 v31, v25;
	v31 =	vmul.f32 v55, v55  }
0x223: {  	p0 =	sne.s32 s24, $0x7C00;
	[tilespmem:$0x1FFC0] =	vst v2;
	v2 =	vpop (erf);
	v4 =	vadd.f32 v7, v4;
	v7 =	vadd.f32 v26, v8;
	v8 =	vmul.f32 v58, v58  }
.Ltmp1:
0x224: {  	v61 =	vpop (erf);
	v6 =	vmul.f32 v6, v0;
	v26 =	vsub.f32 v27, v63;
	v0 =	vadd.f32 v31, v24;
	(pc) =	sbr.rel @p0 .LBB2_4-.Ltmp1, $4  }
0x225: {  	v9 =	vpop (erf);
	v4 =	vadd.f32 v7, v4;
	v7 =	vadd.f32 v25, v8;
	v8 =	vmul.f32 v56, v56  }
0x226: {  	v43 =	vpop (erf);
	v24 =	vadd.f32 $0.0e+00, v3;
	v25 =	vsub.f32 v35, v62  }
0x227: {  	v60 =	vmul.f32 $6.999999880e-01, v43;
	v62 =	vmovc v17;
	v3 =	vadd.f32 v7, v4;
	v4 =	vadd.f32 v0, v8  }
0x228: {  	s23 =	smov.u32 s22;
	s22 =	smov.u32 s24;
	s24 =	sadd.s32 $0x400, s24;
	v17 =	vmovc v19;
	v0 =	vmul.f32 v2, v62;
	v2 =	vadd.f32 v6, v24;
	v6 =	vmul.f32 v25, v1  }
0x229: {  	s23 =	sshra.s32 s23, $0x2;
	v19 =	vld [tilespmem:$0x1FF80]  }
0x22a: {  	v1 =	vld [tilespmem:s23+$0x86F0]  }
0x22b: {  	v27 =	vld [tilespmem:s23+$0x86E0]  }
0x22c: {  	v31 =	vld [tilespmem:s23+$0x86D0]  }
0x22d: {  	v35 =	vld [tilespmem:s23+$0x86C0]  }
0x22e: {  	v63 =	vld [tilespmem:s23+$0x86B0]  }
0x22f: {  	v59 =	vld [tilespmem:s23+$0x8690]  }
0x230: {  	v25 =	vld [tilespmem:s23+$0x8670]  }
0x231: {  	v6 =	vadd.f32 v6, v2;
	v2 =	vld [tilespmem:s23+$0x8650]  }
0x232: {  	v7 =	vsub.f32 v23, v33;
	v23 =	vld [tilespmem:s23+$0x8640]  }
0x233: {  	v24 =	vld [tilespmem:s23+$0x8620]  }
0x234: {  	v8 =	vmul.f32 v26, v34;
	v26 =	vld [tilespmem:s23+$0x8600]  }
0x235: {  	v18 =	vsub.f32 v18, v45;
	v45 =	vld [tilespmem:s23+$0xA600]  }
0x236: {  	v15 =	vsub.f32 v15, v47;
	v47 =	vld [tilespmem:s23+$0xA610]  }
0x237: {  	v12 =	vsub.f32 v12, v28;
	v28 =	vld [tilespmem:s23+$0xA620]  }
0x238: {  	v13 =	vsub.f32 v13, v49;
	v49 =	vadd.f32 v0, v30;
	v30 =	vld [tilespmem:s23+$0x6620]  }
0x239: {  	v11 =	vsub.f32 v11, v32;
	v32 =	vld [tilespmem:s23+$0xA650]  }
0x23a: {  	v22 =	vsub.f32 v22, v36;
	v36 =	vld [tilespmem:s23+$0x6640]  }
0x23b: {  	v33 =	vld [tilespmem:s23+$0x6670]  }
0x23c: {  	v10 =	vsub.f32 v10, v55;
	v55 =	vld [tilespmem:s23+$0xA690]  }
0x23d: {  	v21 =	vsub.f32 v21, v38;
	v17 =	vadd.f32 v17, v39;
	v39 =	vld [tilespmem:s23+$0x6690]  }
0x23e: {  	v3 =	vadd.f32 v4, v3;
	v38 =	vld [tilespmem:s23+$0x66A0];
	v7 =	vmul.f32 v7, v37  }
0x23f: {  	v20 =	vsub.f32 v20, v41;
	v40 =	vmul.f32 v22, v40;
	v21 =	vmul.f32 v21, v42;
	v37 =	vld [tilespmem:s23+$0xA660]  }
0x240: {  	v16 =	vsub.f32 v16, v51;
	v42 =	vmul.f32 v61, v5;
	v34 =	vmul.f32 v11, v58;
	v11 =	vld [tilespmem:s23+$0x6660]  }
0x241: {  	v20 =	vmul.f32 v20, v44;
	v22 =	vadd.f32 $1.000000000e+00, v43;
	v43 =	vld [tilespmem:s23+$0xA6A0];
	v6 =	vadd.f32 v8, v6  }
0x242: {  	v14 =	vsub.f32 v14, v53;
	v18 =	vmul.f32 v18, v46;
	v15 =	vmul.f32 v15, v48;
	v8 =	vld [tilespmem:s23+$0x8630]  }
0x243: {  	v13 =	vmul.f32 v13, v50;
	v48 =	vsub.f32 $0.0e+00, v60;
	v6 =	vadd.f32 v7, v6;
	v7 =	vld [tilespmem:s23+$0x6600]  }
0x244: {  	v16 =	vmul.f32 v16, v52;
	v14 =	vmul.f32 v14, v54;
	v17 =	vadd.f32 v19, v17;
	v19 =	vld [tilespmem:s23+$0xA630];
	[tilespmem:$0x1FD10] =	vst v1  }
0x245: {  	v12 =	vmul.f32 v12, v57;
	v29 =	vadd.f32 v42, v29;
	v53 =	vmul.f32 $1.442695020e+00, v48;
	[tilespmem:$0x1FCE0] =	vst v35;
	v35 =	vld [tilespmem:s23+$0x86A0]  }
0x246: {  	v10 =	vmul.f32 v10, v56;
	v52 =	vsub.f32 $0.0e+00, v49;
	v42 =	vadd.f32 $-1.000000000e+00, v60;
	[tilespmem:$0x1FCF0] =	vst v31;
	v31 =	vld [tilespmem:s23+$0x8680]  }
0x247: {  	v1 =	vld [tilespmem:s23+$0x8660];
	[tilespmem:$0x1FE80] =	vst v29;
	v29 =	vsub.f32 $0.0e+00, v29;
	(erf) = vpow2.f32 v53;
	v60 =	vmul.f32 v26, v26  }
0x248: {  	[tilespmem:$0x1FD00] =	vst v27;
	v27 =	vld [tilespmem:s23+$0x8610];
	v61 =	vmul.f32 v45, v45;
	v46 =	vmul.f32 v47, v47;
	v4 =	vadd.f32 v40, v6  }
0x249: {  	v48 =	vmul.f32 v28, v28;
	v53 =	vld [tilespmem:s23+$0xA6D0];
	v56 =	vmul.f32 v2, v2;
	v50 =	vsub.f32 $0.0e+00, v17  }
0x24a: {  	v17 =	vld [tilespmem:s23+$0xA640];
	v6 =	vsub.f32 v26, v45;
	v58 =	vmul.f32 $1.442695020e+00, v29;
	v4 =	vadd.f32 v21, v4  }
0x24b: {  	v40 =	vld [tilespmem:s23+$0x6680];
	v44 =	vadd.f32 v61, v60;
	v61 =	vmul.f32 v30, v30;
	v54 =	vand.u32 $0x7FFFFFFF, v50  }
0x24c: {  	v29 =	vld [tilespmem:s23+$0xA680];
	v57 =	vsub.f32 $0.0e+00, v54;
	v6 =	vmul.f32 v6, v7;
	v4 =	vadd.f32 v20, v4  }
0x24d: {  	[tilespmem:$0x1FE40] =	vst v5;
	v5 =	vmul.f32 v7, v7;
	v20 =	vld [tilespmem:s23+$0x6610];
	v21 =	vsub.f32 v27, v47;
	v47 =	vmul.f32 v24, v24  }
0x24e: {  	v45 =	vmul.f32 v27, v27;
	v27 =	vld [tilespmem:s23+$0x66B0];
	v6 =	vadd.f32 $0.0e+00, v6;
	v4 =	vadd.f32 v18, v4  }
0x24f: {  	[tilespmem:$0x1FF30] =	vst v50;
	v50 =	vadd.f32 v48, v47;
	v48 =	vsub.f32 v24, v28;
	v28 =	vmul.f32 v1, v1;
	v18 =	vld [tilespmem:$0x1FCF0]  }
0x250: {  	v1 =	vsub.f32 v1, v37;
	v51 =	vadd.f32 v15, v4;
	v15 =	vld [tilespmem:s23+$0x6630];
	v4 =	vmul.f32 $1.442695020e+00, v52  }
0x251: {  	s22 =	sshra.s32 s22, $0x2;
	v52 =	vld [tilespmem:s23+$0xA6B0];
	v7 =	vadd.f32 v50, v61;
	v50 =	vmul.f32 v48, v30;
	v30 =	vmul.f32 v37, v37  }
0x252: {  	v37 =	vld [tilespmem:s22+$0xA600];
	v48 =	vsub.f32 v31, v29;
	v0 =	vadd.f32 v13, v51;
	v13 =	vmul.f32 $1.442695020e+00, v57  }
0x253: {  	(erf) = vpow2.f32 v4;
	v4 =	vld [tilespmem:s23+$0x6650];
	v57 =	vmul.f32 v8, v8;
	v8 =	vsub.f32 v8, v19  }
0x254: {  	(erf) = vpow2.f32 v58;
	v58 =	vmul.f32 v19, v19;
	v19 =	vld [tilespmem:s22+$0x8600];
	v16 =	vadd.f32 v16, v0  }
0x255: {  	v0 =	vld [tilespmem:s23+$0xA670];
	(erf) = vpow2.f32 v13;
	v13 =	vadd.f32 $-1.000000000e+00, v49;
	v49 =	vmul.f32 v20, v20  }
0x256: {  	v20 =	vmul.f32 v21, v20;
	v41 =	vadd.f32 v58, v57;
	v57 =	vld [tilespmem:s23+$0xA6C0];
	v51 =	vmul.f32 v15, v15  }
0x257: {  	v47 =	vmul.f32 v23, v23;
	v14 =	vadd.f32 v14, v16;
	v16 =	vadd.f32 v46, v45;
	v45 =	vld [tilespmem:s23+$0xA6E0]  }
0x258: {  	v8 =	vmul.f32 v8, v15;
	v15 =	vpop (erf);
	v6 =	vadd.f32 v20, v6;
	v61 =	vadd.f32 v41, v51;
	v51 =	vld [tilespmem:s23+$0x66D0]  }
0x259: {  	v15 =	vmul.f32 v15, v22;
	v41 =	vld [tilespmem:s23+$0xA6F0];
	v12 =	vadd.f32 v12, v14;
	v14 =	vadd.f32 v44, v5  }
0x25a: {  	v60 =	vadd.f32 v16, v49;
	v49 =	vmul.f32 v17, v17;
	v17 =	vsub.f32 v23, v17;
	v23 =	vld [tilespmem:s22+$0x8650]  }
0x25b: {  	v2 =	vsub.f32 v2, v32;
	v58 =	vmul.f32 v32, v32;
	v6 =	vadd.f32 v50, v6;
	v50 =	vld [tilespmem:s22+$0x8610]  }
0x25c: {  	[tilespmem:$0x1FD20] =	vst v40;
	v16 =	vmul.f32 v48, v40;
	v15 =	vadd.f32 v15, v42;
	v40 =	vld [tilespmem:s22+$0x8630];
	v3 =	vadd.f32 v14, v3  }
0x25d: {  	v26 =	vmul.f32 v36, v36;
	v48 =	vld [tilespmem:s22+$0x6620];
	v54 =	vadd.f32 v49, v47;
	v6 =	vadd.f32 v8, v6  }
0x25e: {  	v5 =	vld [tilespmem:s22+$0x86D0];
	v24 =	vmul.f32 v17, v36;
	v14 =	vadd.f32 v58, v56;
	v36 =	vsub.f32 v25, v0  }
0x25f: {  	v2 =	vmul.f32 v2, v4;
	v47 =	vld [tilespmem:s23+$0x66E0];
	v12 =	vadd.f32 v34, v12;
	v3 =	vadd.f32 v60, v3  }
0x260: {  	[tilespmem:$0x1FED0] =	vst v62;
	v44 =	vmovc v31;
	v31 =	vmov v59;
	v56 =	vld [tilespmem:s22+$0xA610];
	v6 =	vadd.f32 v24, v6;
	v32 =	vadd.f32 v54, v26  }
0x261: {  	[tilespmem:$0x1FF00] =	vst v22;
	v8 =	vpop (erf);
	v60 =	vld [tilespmem:s23+$0x66C0];
	v49 =	vmul.f32 v36, v33;
	v54 =	vsub.f32 v59, v55;
	v36 =	vsub.f32 v19, v37  }
0x262: {  	[tilespmem:$0x1FD70] =	vst v37;
	v58 =	vpop (erf);
	v8 =	vmul.f32 v8, v62;
	v10 =	vadd.f32 v10, v12;
	v37 =	vld [tilespmem:s22+$0xA620];
	v59 =	vsub.f32 v35, v43  }
0x263: {  	v1 =	vmul.f32 v1, v11;
	[tilespmem:$0x1FE50] =	vst v58;
	v58 =	vld [tilespmem:s22+$0x8620];
	v3 =	vadd.f32 v7, v3;
	v2 =	vadd.f32 v2, v6  }
0x264: {  	[tilespmem:$0x1FD30] =	vst v39;
	v4 =	vmul.f32 v4, v4;
	v26 =	vld [tilespmem:s22+$0x6610];
	v6 =	vadd.f32 v30, v28;
	v46 =	vadd.f32 v8, v13  }
0x265: {  	[tilespmem:$0x1FD40] =	vst v38;
	v24 =	vld [tilespmem:s22+$0x8640];
	v7 =	vpop (erf);
	v3 =	vadd.f32 v61, v3;
	v1 =	vadd.f32 v1, v2  }
0x266: {  	[tilespmem:$0x1FD60] =	vst v19;
	v13 =	vadd.f32 $1.000000000e+00, v7;
	v61 =	vld [tilespmem:s22+$0x6600];
	v2 =	vadd.f32 v14, v4;
	v4 =	vmul.f32 $6.999999880e-01, v7  }
0x267: {  	[tilespmem:$0x1FDE0] =	vst v40;
	v14 =	vmul.f32 v54, v39;
	v54 =	vld [tilespmem:s22+$0xA630];
	v3 =	vadd.f32 v32, v3;
	v1 =	vadd.f32 v49, v1  }
0x268: {  	v20 =	vmov v22;
	[tilespmem:$0x1FDB0] =	vst v58;
	v39 =	vsub.f32 $0.0e+00, v4;
	v34 =	vsub.f32 v58, v37;
	v58 =	vld [tilespmem:s22+$0xA640]  }
0x269: {  	v22 =	vmovc v35;
	v62 =	vld [tilespmem:s22+$0x6640];
	v35 =	vmul.f32 v59, v38;
	[tilespmem:$0x1FDC0] =	vst v37;
	v49 =	vsub.f32 v50, v56;
	v37 =	vsub.f32 $0.0e+00, v10  }
0x26a: {  	v19 =	vld [tilespmem:s22+$0x86E0];
	[tilespmem:$0x1FE00] =	vst v48;
	v4 =	vadd.f32 $-1.000000000e+00, v4;
	v1 =	vadd.f32 v16, v1;
	v12 =	vmul.f32 $1.442695020e+00, v39  }
0x26b: {  	v28 =	vld [tilespmem:s22+$0x6630];
	[tilespmem:$0x1FDD0] =	vst v26;
	v8 =	vmul.f32 v49, v26;
	v26 =	vsub.f32 $0.0e+00, v46;
	v39 =	vmul.f32 v34, v48  }
0x26c: {  	v59 =	vld [tilespmem:s22+$0x8660];
	v48 =	vsub.f32 v63, v52;
	[tilespmem:$0x1FD80] =	vst v61;
	v42 =	vmul.f32 v36, v61;
	v61 =	vsub.f32 $0.0e+00, v15  }
0x26d: {  	v21 =	vmov v63;
	[tilespmem:$0x1FE10] =	vst v24;
	v40 =	vsub.f32 v40, v54;
	v63 =	vsub.f32 v24, v58;
	v24 =	vld [tilespmem:$0x1FCE0]  }
0x26e: {  	[tilespmem:$0x1FDA0] =	vst v56;
	v56 =	vld [tilespmem:s22+$0xA660];
	v15 =	vadd.f32 $-1.000000000e+00, v15;
	v1 =	vadd.f32 v14, v1  }
0x26f: {  	[tilespmem:$0x1FD90] =	vst v50;
	v49 =	vld [tilespmem:s22+$0x6650];
	(erf) = vpow2.f32 v12;
	v50 =	vadd.f32 $0.0e+00, v42;
	v42 =	vand.u32 $0x7FFFFFFF, v37  }
0x270: {  	[tilespmem:$0x1FDF0] =	vst v54;
	v54 =	vld [tilespmem:s22+$0x6670];
	v38 =	vmul.f32 $1.442695020e+00, v26;
	v36 =	vmul.f32 $1.442695020e+00, v61;
	v10 =	vsub.f32 $0.0e+00, v42  }
0x271: {  	[tilespmem:$0x1FEF0] =	vst v46;
	v30 =	vmul.f32 v48, v27;
	v61 =	vld [tilespmem:s22+$0xA650];
	v46 =	vmul.f32 v40, v28;
	v1 =	vadd.f32 v35, v1  }
0x272: {  	[tilespmem:$0x1FD50] =	vst v27;
	v27 =	vld [tilespmem:s23+$0x66F0];
	(erf) = vpow2.f32 v36;
	v32 =	vmul.f32 $1.442695020e+00, v10;
	v34 =	vsub.f32 v24, v57  }
0x273: {  	v35 =	vld [tilespmem:s22+$0x6660];
	v8 =	vadd.f32 v8, v50;
	v16 =	vmul.f32 v63, v62;
	(erf) = vpow2.f32 v38  }
0x274: {  	v63 =	vld [tilespmem:$0x1FD00];
	v1 =	vadd.f32 v30, v1;
	(erf) = vpow2.f32 v32;
	v40 =	vmul.f32 v34, v60  }
0x275: {  	v0 =	vmul.f32 v0, v0;
	[tilespmem:$0x1FE20] =	vst v28;
	v48 =	vsub.f32 v59, v56;
	v28 =	vld [tilespmem:s22+$0xA680];
	v8 =	vadd.f32 v39, v8  }
0x276: {  	v50 =	vmul.f32 v25, v25;
	v39 =	vsub.f32 v23, v61;
	v1 =	vadd.f32 v40, v1;
	v40 =	vld [tilespmem:$0x1FD10]  }
0x277: {  	v11 =	vmul.f32 v11, v11;
	v36 =	vld [tilespmem:s22+$0x8670];
	v8 =	vadd.f32 v46, v8;
	v46 =	vsub.f32 v18, v53  }
0x278: {  	[tilespmem:$0x1FE30] =	vst v23;
	v38 =	vld [tilespmem:s22+$0xA670];
	v23 =	vadd.f32 v0, v50;
	v50 =	vmul.f32 v48, v35;
	v42 =	vmul.f32 v39, v49  }
0x279: {  	[tilespmem:$0x1FE60] =	vst v49;
	v0 =	vld [tilespmem:s22+$0x86B0];
	v10 =	vsub.f32 v63, v45;
	v8 =	vadd.f32 v16, v8;
	v49 =	vmul.f32 v46, v51;
	v26 =	vpop (erf)  }
0x27a: {  	v48 =	vld [tilespmem:s22+$0x86A0];
	v16 =	vadd.f32 v2, v3;
	v3 =	vadd.f32 v6, v11;
	v12 =	vmul.f32 v26, v13  }
0x27b: {  	v39 =	vld [tilespmem:s22+$0x8680];
	v17 =	vmul.f32 v10, v47;
	v1 =	vadd.f32 v49, v1;
	v34 =	vpop (erf);
	v25 =	vsub.f32 v40, v41  }
0x27c: {  	[tilespmem:$0x1FF40] =	vst v37;
	v8 =	vadd.f32 v42, v8;
	v49 =	vld [tilespmem:s22+$0x8690];
	v12 =	vadd.f32 v12, v4;
	v14 =	vpop (erf)  }
0x27d: {  	[tilespmem:$0x1FE70] =	vst v35;
	v7 =	vmul.f32 v34, v20;
	v20 =	vld [tilespmem:s22+$0xA690];
	v1 =	vadd.f32 v17, v1;
	v37 =	vpop (erf);
	v35 =	vmul.f32 v25, v27  }
0x27e: {  	v32 =	vsub.f32 v36, v38;
	v42 =	vld [tilespmem:s22+$0x6680];
	v6 =	vadd.f32 v50, v8;
	v8 =	vmul.f32 $6.999999880e-01, v37  }
0x27f: {  	v2 =	vld [tilespmem:s22+$0x86C0];
	v30 =	vsub.f32 $0.0e+00, v12;
	v1 =	vadd.f32 v35, v1  }
0x280: {  	v46 =	vmul.f32 v32, v54;
	v34 =	vld [tilespmem:s22+$0x6690];
	v17 =	vadd.f32 v7, v15;
	v26 =	vsub.f32 $0.0e+00, v8  }
0x281: {  	v31 =	vmul.f32 v31, v31;
	v32 =	vld [tilespmem:s22+$0xA6A0];
	v25 =	vsub.f32 v39, v28;
	v4 =	vsub.f32 $0.0e+00, v1  }
0x282: {  	v6 =	vadd.f32 v46, v6;
	v46 =	vld [tilespmem:s22+$0xA6B0];
	v50 =	vsub.f32 v49, v20;
	v11 =	vmul.f32 $1.442695020e+00, v26  }
0x283: {  	v15 =	vld [tilespmem:s22+$0x66A0];
	v7 =	vmul.f32 v25, v42;
	v35 =	vsub.f32 $0.0e+00, v17;
	v10 =	vand.u32 $0x7FFFFFFF, v4  }
0x284: {  	[tilespmem:$0x1FEE0] =	vst v14;
	v14 =	vld [tilespmem:s22+$0xA6C0];
	v1 =	vmul.f32 $1.442695020e+00, v30;
	(erf) = vpow2.f32 v11;
	v26 =	vsub.f32 $0.0e+00, v10  }
0x285: {  	[tilespmem:$0x1FF20] =	vst v17;
	v17 =	vld [tilespmem:s22+$0x66B0];
	v6 =	vadd.f32 v7, v6;
	v11 =	vmul.f32 $1.442695020e+00, v35;
	v35 =	vmul.f32 v50, v34  }
0x286: {  	v25 =	vld [tilespmem:s22+$0x66C0];
	v30 =	vsub.f32 v48, v32;
	(erf) = vpow2.f32 v1;
	v7 =	vmul.f32 $1.442695020e+00, v26  }
0x287: {  	v50 =	vld [tilespmem:s22+$0xA6D0];
	(erf) = vpow2.f32 v11;
	v1 =	vadd.f32 v35, v6;
	v10 =	vmul.f32 v44, v44  }
0x288: {  	v44 =	vsub.f32 v0, v46;
	v26 =	vld [tilespmem:s22+$0xA6E0];
	(erf) = vpow2.f32 v7;
	v7 =	vmul.f32 v30, v15  }
0x289: {  	[tilespmem:$0x1FF50] =	vst v4;
	v4 =	vadd.f32 v3, v16;
	v11 =	vmul.f32 v29, v29;
	v29 =	vmul.f32 v33, v33  }
0x28a: {  	v16 =	vsub.f32 v2, v14;
	v35 =	vld [tilespmem:s22+$0x66D0];
	v6 =	vmul.f32 v44, v17;
	v7 =	vadd.f32 v7, v1  }
0x28b: {  	[tilespmem:$0x1FEA0] =	vst v2;
	v10 =	vadd.f32 v11, v10;
	v44 =	vld [tilespmem:s22+$0x86F0];
	v2 =	vadd.f32 v23, v29;
	v11 =	vmul.f32 v55, v55  }
0x28c: {  	v16 =	vmul.f32 v16, v25;
	v23 =	vld [tilespmem:s22+$0x66E0];
	v55 =	vsub.f32 v5, v50;
	v7 =	vadd.f32 v6, v7  }
0x28d: {  	v30 =	vld [tilespmem:s22+$0xA6F0];
	v29 =	vadd.f32 v11, v31;
	v11 =	vsub.f32 v19, v26  }
0x28e: {  	v6 =	vadd.f32 v2, v4;
	v4 =	vadd.f32 v16, v7;
	v16 =	vld [tilespmem:$0x1FD20]  }
0x28f: {  	v43 =	vmul.f32 v43, v43;
	[tilespmem:$0x1FEC0] =	vst v19  }
0x290: {  	[tilespmem:$0x1FE90] =	vst v0;
	v33 =	vld [tilespmem:s22+$0x66F0];
	v0 =	vmul.f32 v55, v35;
	v1 =	vpop (erf);
	v19 =	vmul.f32 v22, v22  }
0x291: {  	v37 =	vadd.f32 $1.000000000e+00, v37;
	v3 =	vpop (erf)  }
0x292: {  	v7 =	vmul.f32 v11, v23;
	v11 =	vpop (erf);
	v22 =	vadd.f32 v0, v4;
	v4 =	vadd.f32 v43, v19;
	v43 =	vld [tilespmem:$0x1FD30]  }
0x293: {  	v1 =	vmul.f32 v1, v37;
	[tilespmem:$0x1FF10] =	vst v11;
	v11 =	vpop (erf);
	v55 =	vmul.f32 v16, v16;
	v16 =	vsub.f32 v44, v30  }
0x294: {  	v8 =	vadd.f32 $-1.000000000e+00, v8;
	v3 =	vmul.f32 v3, v13;
	v31 =	vmul.f32 $6.999999880e-01, v11  }
0x295: {  	v19 =	vadd.f32 $-1.000000000e+00, v12;
	v2 =	vadd.f32 v7, v22;
	v0 =	vmul.f32 v16, v33  }
0x296: {  	v1 =	vadd.f32 v1, v8;
	v22 =	vsub.f32 $0.0e+00, v31  }
0x297: {  	v0 =	vadd.f32 v0, v2;
	v2 =	vmul.f32 v43, v43;
	v43 =	vadd.f32 v3, v19  }
0x298: {  	v60 =	vmul.f32 v60, v60;
	v10 =	vadd.f32 v10, v55;
	v55 =	vsub.f32 $0.0e+00, v1  }
0x299: {  	v16 =	vmul.f32 $1.442695020e+00, v22;
	v22 =	vsub.f32 $0.0e+00, v43;
	v2 =	vadd.f32 v29, v2;
	v29 =	vld [tilespmem:$0x1FD40]  }
0x29a: {  	v63 =	vmul.f32 v63, v63;
	v3 =	vmul.f32 v21, v21  }
0x29b: {  	v21 =	vmul.f32 $1.442695020e+00, v55;
	v55 =	vsub.f32 $0.0e+00, v0;
	v0 =	vmul.f32 $1.442695020e+00, v22;
	v22 =	vld [tilespmem:$0x1FD50]  }
0x29c: {  	v12 =	vmul.f32 v45, v45;
	v19 =	vmul.f32 v52, v52  }
0x29d: {  	v6 =	vadd.f32 v10, v6;
	(erf) = vpow2.f32 v16;
	v16 =	vmul.f32 v24, v24  }
0x29e: {  	[tilespmem:$0x1FEB0] =	vst v5;
	v3 =	vadd.f32 v19, v3;
	v5 =	vand.u32 $0x7FFFFFFF, v55;
	v52 =	vmul.f32 v29, v29  }
0x29f: {  	(erf) = vpow2.f32 v21;
	v19 =	vmul.f32 v57, v57;
	v8 =	vsub.f32 $0.0e+00, v5  }
0x2a0: {  	v2 =	vadd.f32 v2, v6;
	v4 =	vadd.f32 v4, v52;
	v24 =	vmul.f32 v22, v22  }
0x2a1: {  	v57 =	vmul.f32 v53, v53;
	v21 =	vadd.f32 v19, v16;
	v29 =	vmul.f32 $1.442695020e+00, v8  }
0x2a2: {  	v52 =	vmul.f32 v18, v18;
	v18 =	vld [tilespmem:$0x1FF70];
	v2 =	vadd.f32 v4, v2;
	v3 =	vadd.f32 v3, v24  }
0x2a3: {  	v16 =	vmul.f32 v51, v51;
	(erf) = vpow2.f32 v0;
	v0 =	vadd.f32 v21, v60  }
0x2a4: {  	(erf) = vpow2.f32 v29;
	v22 =	vld [tilespmem:$0x1FFE0];
	v4 =	vadd.f32 v57, v52;
	v2 =	vadd.f32 v3, v2  }
0x2a5: {  	v7 =	vadd.f32 v12, v63;
	v51 =	vld [tilespmem:$0x1FD60]  }
0x2a6: {  	v29 =	vmul.f32 v41, v41;
	v41 =	vld [tilespmem:$0x1FFA0];
	v19 =	vadd.f32 v4, v16;
	v0 =	vadd.f32 v0, v2  }
0x2a7: {  	v53 =	vld [tilespmem:$0x1FD70];
	v6 =	vmul.f32 v9, v18  }
0x2a8: {  	v21 =	vmul.f32 v47, v47;
	v24 =	vmul.f32 v40, v40;
	v0 =	vadd.f32 v19, v0  }
0x2a9: {  	v60 =	vld [tilespmem:$0x1FD80];
	v4 =	vadd.f32 v6, v22  }
0x2aa: {  	v47 =	vmul.f32 v27, v27;
	v40 =	vadd.f32 v7, v21;
	v7 =	vpop (erf);
	v45 =	vadd.f32 v29, v24;
	v22 =	vld [tilespmem:$0x1FDA0]  }
0x2ab: {  	v52 =	vmul.f32 v51, v51;
	v10 =	vpop (erf);
	v19 =	vld [tilespmem:$0x1FD90];
	v3 =	vadd.f32 v4, v41  }
0x2ac: {  	v57 =	vmul.f32 v53, v53;
	v4 =	vadd.f32 v45, v47;
	v47 =	vld [tilespmem:$0x1FDC0];
	v2 =	vadd.f32 v40, v0;
	v0 =	vpop (erf)  }
0x2ad: {  	v29 =	vpop (erf)  }
0x2ae: {  	v8 =	vadd.f32 v57, v52;
	v52 =	vld [tilespmem:$0x1FDD0];
	v45 =	vmul.f32 $6.999999880e-01, v29  }
0x2af: {  	v63 =	vmul.f32 v60, v60;
	v40 =	vld [tilespmem:$0x1FDB0]  }
0x2b0: {  	v60 =	vld [tilespmem:$0x1FDE0];
	v24 =	vmul.f32 v22, v22;
	v21 =	vmul.f32 v19, v19;
	v57 =	vsub.f32 $0.0e+00, v45  }
0x2b1: {  	v62 =	vmul.f32 v62, v62;
	v2 =	vadd.f32 v4, v2;
	v4 =	vmul.f32 v47, v47;
	v47 =	vld [tilespmem:$0x1FE10]  }
0x2b2: {  	v61 =	vmul.f32 v61, v61;
	v51 =	vadd.f32 v24, v21;
	v21 =	vld [tilespmem:$0x1FDF0];
	v12 =	vmul.f32 $1.442695020e+00, v57  }
0x2b3: {  	v11 =	vadd.f32 $1.000000000e+00, v11;
	v6 =	vadd.f32 v8, v63;
	v53 =	vmul.f32 v52, v52;
	v24 =	vld [tilespmem:$0x1FE00]  }
0x2b4: {  	v1 =	vadd.f32 $-1.000000000e+00, v1;
	v41 =	vmul.f32 v40, v40;
	(erf) = vpow2.f32 v12  }
0x2b5: {  	v7 =	vmul.f32 v7, v11;
	v63 =	vmul.f32 v60, v60;
	v2 =	vadd.f32 v6, v2;
	v57 =	vld [tilespmem:$0x1FE20]  }
0x2b6: {  	v52 =	vmul.f32 v58, v58;
	v4 =	vadd.f32 v4, v41;
	v8 =	vadd.f32 v51, v53;
	v41 =	vld [tilespmem:$0x1FF60]  }
0x2b7: {  	v19 =	vadd.f32 $1.000000000e+00, v29;
	v29 =	vmul.f32 v54, v54;
	v51 =	vmul.f32 v47, v47  }
0x2b8: {  	v2 =	vadd.f32 v8, v2;
	v22 =	vmul.f32 v21, v21;
	v27 =	vmul.f32 v24, v24  }
0x2b9: {  	v60 =	vld [tilespmem:$0x1FE30];
	v21 =	vmul.f32 v56, v56;
	v53 =	vadd.f32 v52, v51;
	v52 =	vmul.f32 v36, v36  }
0x2ba: {  	v47 =	vld [tilespmem:$0x1FE60];
	v4 =	vadd.f32 v4, v27;
	v6 =	vadd.f32 v22, v63;
	v58 =	vmul.f32 v57, v57  }
0x2bb: {  	v24 =	vld [tilespmem:$0x1FE40];
	v3 =	vadd.f32 v3, v41;
	v63 =	vmul.f32 v59, v59;
	v22 =	vadd.f32 $-1.000000000e+00, v31  }
0x2bc: {  	v27 =	vld [tilespmem:$0x1FE50];
	v41 =	vmul.f32 v10, v37;
	v2 =	vadd.f32 v4, v2;
	v6 =	vadd.f32 v6, v58  }
0x2bd: {  	v8 =	vadd.f32 v53, v62;
	v53 =	vmul.f32 v38, v38;
	v57 =	vadd.f32 $-1.000000000e+00, v45;
	v56 =	vpop (erf)  }
0x2be: {  	v59 =	vld [tilespmem:$0x1FE70];
	v2 =	vadd.f32 v6, v2;
	v6 =	vadd.f32 v7, v22;
	v7 =	vmul.f32 v56, v19  }
0x2bf: {  	v4 =	vmul.f32 v60, v60;
	v40 =	vadd.f32 v21, v63;
	v1 =	vadd.f32 v41, v1  }
0x2c0: {  	v51 =	vmul.f32 v47, v47;
	v58 =	vsub.f32 $0.0e+00, v6;
	v7 =	vadd.f32 v7, v57  }
0x2c1: {  	v4 =	vadd.f32 v61, v4;
	v61 =	vsub.f32 $0.0e+00, v1;
	v31 =	vmul.f32 v27, v24  }
0x2c2: {  	v24 =	vmul.f32 v28, v28;
	v63 =	vmul.f32 $1.442695020e+00, v58;
	v28 =	vsub.f32 $0.0e+00, v7  }
0x2c3: {  	v60 =	vmul.f32 v59, v59;
	v4 =	vadd.f32 v4, v51;
	v27 =	vmul.f32 $1.442695020e+00, v61  }
0x2c4: {  	v2 =	vadd.f32 v8, v2;
	(erf) = vpow2.f32 v63;
	v36 =	vmul.f32 $1.442695020e+00, v28  }
0x2c5: {  	v62 =	vmul.f32 v39, v39;
	v12 =	vadd.f32 v53, v52;
	(erf) = vpow2.f32 v27  }
0x2c6: {  	v9 =	vadd.f32 v40, v60;
	v2 =	vadd.f32 v4, v2;
	(erf) = vpow2.f32 v36  }
0x2c7: {  	v41 =	vmul.f32 v20, v20;
	v40 =	vmul.f32 v49, v49;
	v8 =	vadd.f32 v12, v29  }
0x2c8: {  	v42 =	vmul.f32 v42, v42;
	v38 =	vld [tilespmem:$0x1FE80];
	v4 =	vadd.f32 v24, v62;
	v2 =	vadd.f32 v9, v2  }
0x2c9: {  	v52 =	vmul.f32 v48, v48;
	v53 =	vmul.f32 v32, v32;
	v45 =	vadd.f32 v41, v40  }
0x2ca: {  	v47 =	vmul.f32 v34, v34;
	v58 =	vld [tilespmem:$0x1FE90];
	v4 =	vadd.f32 v4, v42;
	v2 =	vadd.f32 v8, v2  }
0x2cb: {  	v14 =	vmul.f32 v14, v14;
	v18 =	vmul.f32 v17, v17;
	v49 =	vld [tilespmem:$0x1FFC0];
	v56 =	vadd.f32 v53, v52  }
0x2cc: {  	v60 =	vld [tilespmem:$0x1FEA0];
	v57 =	vmul.f32 v15, v15;
	v54 =	vadd.f32 v45, v47;
	v2 =	vadd.f32 v4, v2  }
0x2cd: {  	v59 =	vmul.f32 v46, v46;
	v39 =	vadd.f32 $-1.000000000e+00, v38;
	v6 =	vadd.f32 $-1.000000000e+00, v6;
	v62 =	vpop (erf)  }
0x2ce: {  	v38 =	vld [tilespmem:$0x1FEE0];
	v8 =	vadd.f32 v56, v57;
	v2 =	vadd.f32 v54, v2;
	v63 =	vpop (erf);
	v9 =	vmul.f32 v62, v11  }
0x2cf: {  	v10 =	vadd.f32 v31, v39;
	v39 =	vld [tilespmem:$0x1FEF0];
	v7 =	vadd.f32 $-1.000000000e+00, v7;
	v4 =	vmul.f32 v58, v58;
	v20 =	vpop (erf)  }
0x2d0: {  	v36 =	vld [tilespmem:$0x1FED0];
	v2 =	vadd.f32 v8, v2;
	v6 =	vadd.f32 v9, v6;
	v8 =	vmul.f32 v20, v19  }
0x2d1: {  	v46 =	vld [tilespmem:$0x1FF20];
	v51 =	vadd.f32 v10, v49;
	v61 =	vmul.f32 v60, v60;
	v4 =	vadd.f32 v59, v4  }
0x2d2: {  	v25 =	vmul.f32 v25, v25;
	v42 =	vld [tilespmem:$0x1FF00];
	v27 =	vsub.f32 $0.0e+00, v6;
	v7 =	vadd.f32 v8, v7  }
0x2d3: {  	v0 =	vmul.f32 v0, v13;
	v45 =	vld [tilespmem:$0x1FF10];
	v12 =	vadd.f32 v14, v61;
	v4 =	vadd.f32 v4, v18  }
0x2d4: {  	v21 =	vld [tilespmem:$0x1FEB0];
	v15 =	vadd.f32 $-1.000000000e+00, v39;
	v32 =	vmul.f32 $1.442695020e+00, v27;
	v34 =	vsub.f32 $0.0e+00, v7  }
0x2d5: {  	v49 =	vld [tilespmem:$0x1FFD0];
	v12 =	vadd.f32 v12, v25;
	v2 =	vadd.f32 v4, v2;
	v5 =	vmul.f32 v38, v36  }
0x2d6: {  	v3 =	vadd.f32 v51, v3;
	v28 =	vld [tilespmem:$0x1FEC0];
	(erf) = vpow2.f32 v32;
	v40 =	vmul.f32 $1.442695020e+00, v34  }
0x2d7: {  	v48 =	vmul.f32 v30, v30;
	v51 =	vld [tilespmem:$0x1FFF0];
	v4 =	vadd.f32 $-1.000000000e+00, v46;
	v2 =	vadd.f32 v12, v2  }
0x2d8: {  	v5 =	vadd.f32 v5, v15;
	v12 =	vmul.f32 v45, v42;
	(erf) = vpow2.f32 v40  }
0x2d9: {  	v1 =	vadd.f32 $-1.000000000e+00, v1;
	v53 =	vld [tilespmem:$0x1FF30];
	v24 =	vmul.f32 v50, v50;
	v50 =	vadd.f32 $-1.000000000e+00, v43  }
0x2da: {  	v22 =	vmul.f32 v21, v21;
	v5 =	vadd.f32 v5, v49;
	v4 =	vadd.f32 v12, v4  }
0x2db: {  	v31 =	vmul.f32 v26, v26;
	v0 =	vadd.f32 v0, v50;
	v56 =	vld [tilespmem:$0x1FF40];
	v29 =	vmul.f32 v28, v28  }
0x2dc: {  	v52 =	vmul.f32 v63, v37;
	v3 =	vadd.f32 v5, v3;
	v4 =	vadd.f32 v4, v51  }
0x2dd: {  	v41 =	vmul.f32 v35, v35;
	v14 =	vadd.f32 v31, v29;
	v9 =	vadd.f32 v24, v22  }
0x2de: {  	v60 =	vld [tilespmem:$0x1FF50];
	v1 =	vadd.f32 v52, v1;
	v3 =	vadd.f32 v4, v3;
	v4 =	vmax.f32 v53, $0.0e+00  }
0x2df: {  	v47 =	vmul.f32 v44, v44;
	v6 =	vadd.f32 $-1.000000000e+00, v6;
	v0 =	vadd.f32 v0, v4;
	v54 =	vpop (erf)  }
0x2e0: {  	v5 =	vmax.f32 v56, $0.0e+00;
	v8 =	vadd.f32 v9, v41;
	v4 =	vmul.f32 v54, v11  }
0x2e1: {  	v59 =	vmul.f32 v23, v23;
	v1 =	vadd.f32 v1, v5;
	v0 =	vadd.f32 v0, v3;
	v57 =	vpop (erf)  }
0x2e2: {  	v58 =	vadd.f32 $-1.000000000e+00, v7;
	v4 =	vadd.f32 v4, v6;
	v3 =	vmul.f32 v57, v19  }
0x2e3: {  	v9 =	vadd.f32 v48, v47;
	v0 =	vadd.f32 v1, v0;
	v6 =	vmax.f32 v60, $0.0e+00  }
0x2e4: {  	v61 =	vmul.f32 v33, v33;
	v4 =	vadd.f32 v4, v6;
	v3 =	vadd.f32 v3, v58  }
0x2e5: {  	v62 =	vmax.f32 v55, $0.0e+00;
	v2 =	vadd.f32 v8, v2;
	v1 =	vadd.f32 v14, v59  }
0x2e6: {  	v0 =	vadd.f32 v4, v0;
	v3 =	vadd.f32 v3, v62  }
0x2e7: {  	v63 =	vadd.f32 v9, v61;
	v1 =	vadd.f32 v1, v2  }
0x2e8: {  	v0 =	vadd.f32 v3, v0  }
0x2e9: {  	v1 =	vadd.f32 v63, v1  }
0x2ea: {  	(xrf2) =	vadd.scan.msk.f32 $0xffff, v0  }
0x2eb: {  	(xrf2) =	vadd.scan.msk.f32 $0xffff, v1;
	_ =	sdelay $0x8  }
0x2ec: {  	v0, _, _ =	vpop (xrf2)  }
0x2ed: {  	v1, _, _ =	vpop (xrf2)  }
0x2ee: {  	v1 =	vbroadcast v1, $0xF  }
0x2ef: {  	v0 =	vbroadcast v0, $0xF  }
0x2f0: {  	s21 =	sadd.s32 $0x1, s21;
	v1 =	vnsel vm0, $0x0, v1  }
0x2f1: {  	p0 =	sne.s32 s21, s8;
	v0 =	vsel vm1, v1, v0  }
.Ltmp2:
0x2f2: {  	[tilespmem:$0xC600] =	vst v0;
	(pc) =	sbr.rel @p0 .LBB2_1-.Ltmp2, $4  }
0x2f3: {  	[hbm4b:s7+s3] =	stream.linear.scatter [tilespmem:s20], [sflag:$0x2], $0x10, $0x38;
	[tilespmem:$0xC610] =	vst v63  }
0x2f4: {  	_ =	swait.ge [sflag:s9], $0x10  }
0x2f5: {  	[sflag:s9] =	ssyncset.done $0x0  }
0x2f6: {  	[sflag:s9] =	ssyncadd.s32 $0xFFFFFFF0  }
0x2f7: {  	_ =	sfence.sel $0x180000  }
0x2f8: {  	[bflag:$0x0] =	sbarrier.arrive $0xFFFF  }
0x2f9: {  	p0 =	sne.s32 s2, $0x0;
	_ =	strace $0x90000047  }
0x2fa: {  	s0 =	sadd.s32 @!p0 $0x100000, s1;
	[bflag:$0x2] =	sbarrier.arrive $0xFFFF  }
0x2fb: {  	[sflag:s0] =	ssyncadd.tile.s32 @!p0 $0x1;
	_ =	shalt  }
.Lfunc_end2:
_tile_overlayer_lowered:
.L_overlay_start_2:
0x2fc: {  	(tag) =	ssettag $0x2  }
0x2fd: {  	s0 =	rddreg [dreg:$0x0];
	s2 =	stileid.u32  }
0x2fe: {  	s1 =	rddreg [dreg:$0x1];
	p0 =	sne.s32 s2, $0x0  }
0x2ff: {  	s3 =	rddreg [dreg:$0x2];
	[bflag:$0x3] =	sbarrier.arrive $0xFFFF;
	s2 =	simm.s32 @!p0 $0x1C02  }
0x300: {  	[timem:s3], [sflag:s2] =	dma.local @!p0 [hbm:s0], s1  }
0x301: {  	s0 =	simm.s32 @!p0 $0x2  }
0x302: {  	_ =	swait.ge @!p0 [sflag:s0], s1  }
0x303: {  	s1 =	ssub.s32 @!p0 $0x0, s1;
	[sflag:s0] =	ssyncset.done @!p0 $0x0  }
0x304: {  	[sflag:s0] =	ssyncadd.s32 @!p0 s1  }
0x305: {  	[bflag:$0x3] =	sbarrier.arrive $0xFFFF  }
0x306: {  	_ =	shalt  }

</sc_bundles>
